<compile_context>
chip_gen: v7x
topology: tpu7x:2x2x1
jax: 0.10.2.dev20260603
libtpu: 0.0.44.dev20260713+nightly
codegen_flags: <defaults>
</compile_context>

<pallas_src>
import functools

import jax
import jax.numpy as jnp
from jax import lax
from jax.experimental import pallas as pl
from jax.experimental.pallas import tpu as pltpu
from jax.experimental.pallas import tpu_sc as plsc



_ROW_BLOCK = 256


def _round_to_bf16(x):
    u = lax.bitcast_convert_type(x, jnp.uint32)
    r = (u + jnp.uint32(0x7FFF) + ((u >> 16) & jnp.uint32(1))) & jnp.uint32(0xFFFF0000)
    return lax.bitcast_convert_type(r, jnp.float32)


def _argmin_body(z_ref, zr_ref, cb_ref, cbr_ref, idx_ref):
    zb = z_ref[...]
    cb = cb_ref[...]
    cross = lax.dot_general(
        zr_ref[...], cbr_ref[...],
        (((1,), (1,)), ((), ())),
        preferred_element_type=jnp.float32)
    c_sq = jnp.sum(cb * cb, axis=1)
    z_sq = jnp.sum(zb * zb, axis=1, keepdims=True)
    dist = z_sq - 2.0 * cross + c_sq[None, :]
    mn = jnp.min(dist, axis=1, keepdims=True)
    ids = lax.broadcasted_iota(jnp.int32, dist.shape, 1)
    idx = jnp.min(jnp.where(dist == mn, ids, jnp.int32(2**30)), axis=1)
    idx_ref[...] = idx.astype(jnp.int32)


def _argmin_indices(z2, codebook):
    rows, c = z2.shape
    n = codebook.shape[0]
    grid = rows // _ROW_BLOCK
    return pl.pallas_call(
        _argmin_body,
        grid=(grid,),
        in_specs=[
            pl.BlockSpec((_ROW_BLOCK, c), lambda i: (i, 0)),
            pl.BlockSpec((_ROW_BLOCK, c), lambda i: (i, 0)),
            pl.BlockSpec((n, c), lambda i: (0, 0)),
            pl.BlockSpec((n, c), lambda i: (0, 0)),
        ],
        out_specs=pl.BlockSpec((_ROW_BLOCK,), lambda i: (i,)),
        out_shape=jax.ShapeDtypeStruct((rows,), jnp.int32),
    )(z2, _round_to_bf16(z2).astype(jnp.bfloat16),
      codebook, _round_to_bf16(codebook).astype(jnp.bfloat16))



def _make_sc_gather(n, c, rows):
    info = plsc.get_sparse_core_info()
    nc, ns = info.num_cores, info.num_subcores
    nw = nc * ns
    b_per_w = rows // nw
    mesh = plsc.VectorSubcoreMesh(core_axis_name="c", subcore_axis_name="s")

    @functools.partial(
        pl.kernel,
        mesh=mesh,
        out_type=jax.ShapeDtypeStruct((rows, c), jnp.float32),
        scratch_types=[
            pltpu.VMEM((b_per_w,), jnp.int32),
            pltpu.VMEM((b_per_w + 16,), jnp.int32),
            pltpu.VMEM((b_per_w, c), jnp.float32),
            pltpu.SemaphoreType.DMA,
        ],
    )
    def gather_k(cb_hbm, idx_hbm, mask_hbm, out_hbm, idx_v, mask_v, rows_v, sem):
        wid = lax.axis_index("s") * nc + lax.axis_index("c")
        base = wid * b_per_w
        pltpu.sync_copy(idx_hbm.at[pl.ds(base, b_per_w)], idx_v)
        pltpu.sync_copy(mask_hbm.at[pl.ds(base, b_per_w)],
                        mask_v.at[pl.ds(0, b_per_w)])
        pltpu.async_copy(cb_hbm.at[idx_v], rows_v, sem).wait()

        zeros16 = jnp.zeros((16,), jnp.float32)

        def row_body(r, carry):
            m = mask_v[pl.ds(r, 16)][0]

            @pl.when(m == 0)
            def _():
                for ch in range(c // 16):
                    rows_v[r, pl.ds(ch * 16, 16)] = zeros16
            return carry

        lax.fori_loop(0, b_per_w, row_body, 0)
        pltpu.sync_copy(rows_v, out_hbm.at[pl.ds(base, b_per_w)])

    return gather_k



def kernel(z, mask, codebook):
    b, l, c = z.shape
    n = codebook.shape[0]
    rows = b * l
    z2 = z.reshape(rows, c)
    idx_flat = _argmin_indices(z2, codebook)
    mask_i = mask.reshape(rows).astype(jnp.int32)
    quant = _make_sc_gather(n, c, rows)(codebook, idx_flat, mask_i)
    return quant.reshape(b, l, c), idx_flat.reshape(b, l), 0.0

# --- scband reference (transcript-rebuilt; emitter-appended) ---
"""Pipeline reference for scband-kmeans-audio-quantizer-11922829214092 (READ-ONLY COPY).

The authoritative reference and input builder live on the scoring server;
editing this copy changes nothing except your own understanding.
"""

import jax, jax.numpy as jnp
import numpy as np


def setup_inputs(seed: int = 0) -> dict:
    key = jax.random.key(seed)
    k1, k2, k3 = jax.random.split(key, 3)
    z = jax.random.normal(k1, (4, 512, 768), dtype=jnp.float32)
    mask = jax.random.randint(k2, (4, 512), 0, 2).astype(jnp.bool_)
    # Simulated kmeans codebook buffer (original loads 5000-cluster kmeans on 768-d audio feats)
    codebook = jax.random.normal(k3, (5000, 768), dtype=jnp.float32)
    return {"z": z, "mask": mask, "codebook": codebook}


def reference(z, mask, codebook):
    # codebook = self.codebook.detach()
    cb = jax.lax.stop_gradient(codebook)
    # pairwise squared euclidean distance:
    # original materializes (A - B)**2 of shape [B, L, N, C]; we use the
    # algebraically identical expansion ||z||^2 - 2 z.c + ||c||^2 to keep
    # memory tractable. Math is identical.
    z_sq = jnp.sum(z * z, axis=-1, keepdims=True)            # [B, L, 1]
    c_sq = jnp.sum(cb * cb, axis=-1)                          # [N]
    cross = jnp.einsum('blc,nc->bln', z, cb)                  # [B, L, N]
    distance = z_sq - 2.0 * cross + c_sq[None, None, :]       # [B, L, N]
    indices = jnp.argmin(distance, axis=-1)                   # [B, L]
    B, L = indices.shape
    N, C = cb.shape
    flat_indices = indices.reshape(-1)
    codes = jnp.take(cb, flat_indices, axis=0)                # index_select
    quantized = codes.reshape(B, L, C)
    # quantized[~mask] = 0.0
    quantized = jnp.where(mask[..., None], quantized, 0.0)
    commit_loss = 0.0
    return quantized, indices, commit_loss

if __name__ == "__main__":
    import jax
    _d = setup_inputs()
    print(jax.jit(kernel)(*tuple(_d.values())))

</pallas_src>

<mosaic_0001>
#map = affine_map<(d0, d1) -> (0, 0)>
#map1 = affine_map<(d0, d1) -> (0)>
module attributes {stable_mosaic.version = 14 : i64} {
  func.func @gather_k(%arg0: i32, %arg1: i32, %arg2: memref<5000x768xf32, #tpu.memory_space<hbm>>, %arg3: memref<2048xi32, #tpu.memory_space<hbm>>, %arg4: memref<2048xi32, #tpu.memory_space<hbm>>, %arg5: memref<2048x768xf32, #tpu.memory_space<hbm>>, %arg6: memref<64xi32, #tpu.memory_space<vmem>>, %arg7: memref<80xi32, #tpu.memory_space<vmem>>, %arg8: memref<64x768xf32, #tpu.memory_space<vmem>>, %arg9: memref<!tpu.dma_semaphore, #tpu.memory_space<semaphore_mem>>) attributes {dimension_semantics = [#tpu.dimension_semantics<core_parallel>, #tpu.dimension_semantics<subcore_parallel>], iteration_bounds = array<i64: 2, 16>, scalar_prefetch = 0 : i64, scratch_operands = 4 : i64, tpu.core_type = #tpu.core_type<sc_vector_subcore>, window_params = [{transform_indices = #map}, {transform_indices = #map1}, {transform_indices = #map1}, {transform_indices = #map}]} {
    %mul3A = arith.constant 2 : i32
    %mul3A_0 = arith.muli %arg1, %mul3A : i32
    %add3A = arith.addi %mul3A_0, %arg0 : i32
    %mul3A_1 = arith.constant 64 : i32
    %mul3A_2 = arith.muli %add3A, %mul3A_1 : i32
    "tpu.region"() ({
      %run_scoped3A = tpu.sem_alloc : memref<!tpu.dma_semaphore, #tpu.memory_space<semaphore_mem>>
      %dma_start3A_13 = tpu.memref_slice %arg3[%mul3A_2] : memref<2048xi32, #tpu.memory_space<hbm>> -> memref<64xi32, #tpu.memory_space<hbm>>
      %dma_start3A_14 = tpu.memref_slice %arg3[%mul3A_2] : memref<2048xi32, #tpu.memory_space<hbm>> -> memref<64xi32, #tpu.memory_space<hbm>>
      tpu.enqueue_dma source(%dma_start3A_14 : memref<64xi32, #tpu.memory_space<hbm>>) target(%arg6 : memref<64xi32, #tpu.memory_space<vmem>>) target_semaphore(%run_scoped3A : memref<!tpu.dma_semaphore, #tpu.memory_space<semaphore_mem>>)
      %dma_wait3A_15 = tpu.memref_slice %arg3[%mul3A_2] : memref<2048xi32, #tpu.memory_space<hbm>> -> memref<64xi32, #tpu.memory_space<hbm>>
      %dma_wait3A_16 = tpu.memref_slice %arg3[%mul3A_2] : memref<2048xi32, #tpu.memory_space<hbm>> -> memref<64xi32, #tpu.memory_space<hbm>>
      tpu.wait_dma2 semaphore(%run_scoped3A : memref<!tpu.dma_semaphore, #tpu.memory_space<semaphore_mem>>) src(%dma_wait3A_16 : memref<64xi32, #tpu.memory_space<hbm>>) dst(%arg6 : memref<64xi32, #tpu.memory_space<vmem>>)
      tpu.yield
    }) : () -> ()
    "tpu.region"() ({
      %run_scoped3A = tpu.sem_alloc : memref<!tpu.dma_semaphore, #tpu.memory_space<semaphore_mem>>
      %dma_start3A_13 = arith.constant 0 : i32
      %dma_start3A_14 = tpu.memref_slice %arg7[%dma_start3A_13] : memref<80xi32, #tpu.memory_space<vmem>> -> memref<64xi32, #tpu.memory_space<vmem>>
      %dma_start3A_15 = tpu.memref_slice %arg4[%mul3A_2] : memref<2048xi32, #tpu.memory_space<hbm>> -> memref<64xi32, #tpu.memory_space<hbm>>
      %dma_start3A_16 = arith.constant 0 : i32
      %dma_start3A_17 = tpu.memref_slice %arg7[%dma_start3A_16] : memref<80xi32, #tpu.memory_space<vmem>> -> memref<64xi32, #tpu.memory_space<vmem>>
      %dma_start3A_18 = tpu.memref_slice %arg4[%mul3A_2] : memref<2048xi32, #tpu.memory_space<hbm>> -> memref<64xi32, #tpu.memory_space<hbm>>
      tpu.enqueue_dma source(%dma_start3A_18 : memref<64xi32, #tpu.memory_space<hbm>>) target(%dma_start3A_17 : memref<64xi32, #tpu.memory_space<vmem>>) target_semaphore(%run_scoped3A : memref<!tpu.dma_semaphore, #tpu.memory_space<semaphore_mem>>)
      %dma_wait3A_19 = arith.constant 0 : i32
      %dma_wait3A_20 = tpu.memref_slice %arg7[%dma_wait3A_19] : memref<80xi32, #tpu.memory_space<vmem>> -> memref<64xi32, #tpu.memory_space<vmem>>
      %dma_wait3A_21 = tpu.memref_slice %arg4[%mul3A_2] : memref<2048xi32, #tpu.memory_space<hbm>> -> memref<64xi32, #tpu.memory_space<hbm>>
      %dma_wait3A_22 = arith.constant 0 : i32
      %dma_wait3A_23 = tpu.memref_slice %arg7[%dma_wait3A_22] : memref<80xi32, #tpu.memory_space<vmem>> -> memref<64xi32, #tpu.memory_space<vmem>>
      %dma_wait3A_24 = tpu.memref_slice %arg4[%mul3A_2] : memref<2048xi32, #tpu.memory_space<hbm>> -> memref<64xi32, #tpu.memory_space<hbm>>
      tpu.wait_dma2 semaphore(%run_scoped3A : memref<!tpu.dma_semaphore, #tpu.memory_space<semaphore_mem>>) src(%dma_wait3A_24 : memref<64xi32, #tpu.memory_space<hbm>>) dst(%dma_wait3A_23 : memref<64xi32, #tpu.memory_space<vmem>>)
      tpu.yield
    }) : () -> ()
    %dma_start3A = arith.constant 0 : i32
    %dma_start3A_3 = arith.constant 0 : i32
    %dma_start3A_4 = tpu.memref_slice %arg2[%dma_start3A, %dma_start3A_3] : memref<5000x768xf32, #tpu.memory_space<hbm>> -> memref<5000x768xf32, #tpu.memory_space<hbm>>
    tpu.enqueue_indirect_dma source(%dma_start3A_4 : memref<5000x768xf32, #tpu.memory_space<hbm>>) target(%arg8 : memref<64x768xf32, #tpu.memory_space<vmem>>) offsets(%arg6 : memref<64xi32, #tpu.memory_space<vmem>>) semaphore(%arg9 : memref<!tpu.dma_semaphore, #tpu.memory_space<semaphore_mem>>)
    %dma_wait3A = arith.constant 0 : i32
    %dma_wait3A_5 = arith.constant 0 : i32
    %dma_wait3A_6 = tpu.memref_slice %arg2[%dma_wait3A, %dma_wait3A_5] : memref<5000x768xf32, #tpu.memory_space<hbm>> -> memref<5000x768xf32, #tpu.memory_space<hbm>>
    tpu.wait_indirect_dma semaphore(%arg9 : memref<!tpu.dma_semaphore, #tpu.memory_space<semaphore_mem>>) src(%dma_wait3A_6 : memref<5000x768xf32, #tpu.memory_space<hbm>>) dst(%arg8 : memref<64x768xf32, #tpu.memory_space<vmem>>)
    %broadcast_in_dim3A = arith.constant 0.000000e+00 : f32
    %broadcast_in_dim3A_7 = vector.broadcast %broadcast_in_dim3A : f32 to vector<16xf32>
    %scan3A = arith.constant 0 : i32
    %scan3A_8 = arith.constant 0 : i32
    %scan3A_9 = arith.constant 64 : i32
    %scan3A_10 = arith.addi %scan3A_8, %scan3A_9 : i32
    %scan3A_11 = arith.constant 1 : i32
    scf.for %scan3A_13 = %scan3A_8 to %scan3A_10 step %scan3A_11  : i32 {
      %get3A = arith.index_cast %scan3A_13 : i32 to index
      %get3A_14 = tpu.vector_load %arg7[%get3A] {strides = array<i32>} : memref<80xi32, #tpu.memory_space<vmem>>, vector<16xi32>,
      %get3A_15 = vector.shape_cast %get3A_14 : vector<16xi32> to vector<16xi32>
      %slice3A = vector.extract_strided_slice %get3A_15 {offsets = [0], sizes = [1], strides = [1]} : vector<16xi32> to vector<1xi32>
      %squeeze3A = vector.extract %slice3A[0] : i32 from vector<1xi32>
      %eq3A = arith.constant 0 : i32
      %eq3A_16 = arith.cmpi eq, %squeeze3A, %eq3A : i32
      %convert_element_type3A = arith.extui %eq3A_16 : i1 to i32
      %cond3A = arith.constant 0 : i32
      %cond3A_17 = arith.cmpi ne, %convert_element_type3A, %cond3A : i32
      scf.if %cond3A_17 {
        %swap3A = arith.index_cast %scan3A_13 : i32 to index
        %swap3A_18 = arith.constant 0 : index
        %swap3A_19 = tpu.vector_load %arg8[%swap3A, %swap3A_18] {strides = array<i32>} : memref<64x768xf32, #tpu.memory_space<vmem>>, vector<1x16xf32>,
        %swap3A_20 = vector.shape_cast %swap3A_19 : vector<1x16xf32> to vector<16xf32>
        %swap3A_21 = vector.shape_cast %broadcast_in_dim3A_7 : vector<16xf32> to vector<1x16xf32>
        tpu.vector_store %arg8[%swap3A, %swap3A_18], %swap3A_21 {strides = array<i32>} : memref<64x768xf32, #tpu.memory_space<vmem>>, vector<1x16xf32>,
        %swap3A_22 = arith.index_cast %scan3A_13 : i32 to index
        %swap3A_23 = arith.constant 16 : index
        %swap3A_24 = tpu.vector_load %arg8[%swap3A_22, %swap3A_23] {strides = array<i32>} : memref<64x768xf32, #tpu.memory_space<vmem>>, vector<1x16xf32>,
        %swap3A_25 = vector.shape_cast %swap3A_24 : vector<1x16xf32> to vector<16xf32>
        %swap3A_26 = vector.shape_cast %broadcast_in_dim3A_7 : vector<16xf32> to vector<1x16xf32>
        tpu.vector_store %arg8[%swap3A_22, %swap3A_23], %swap3A_26 {strides = array<i32>} : memref<64x768xf32, #tpu.memory_space<vmem>>, vector<1x16xf32>,
        %swap3A_27 = arith.index_cast %scan3A_13 : i32 to index
        %swap3A_28 = arith.constant 32 : index
        %swap3A_29 = tpu.vector_load %arg8[%swap3A_27, %swap3A_28] {strides = array<i32>} : memref<64x768xf32, #tpu.memory_space<vmem>>, vector<1x16xf32>,
        %swap3A_30 = vector.shape_cast %swap3A_29 : vector<1x16xf32> to vector<16xf32>
        %swap3A_31 = vector.shape_cast %broadcast_in_dim3A_7 : vector<16xf32> to vector<1x16xf32>
        tpu.vector_store %arg8[%swap3A_27, %swap3A_28], %swap3A_31 {strides = array<i32>} : memref<64x768xf32, #tpu.memory_space<vmem>>, vector<1x16xf32>,
        %swap3A_32 = arith.index_cast %scan3A_13 : i32 to index
        %swap3A_33 = arith.constant 48 : index
        %swap3A_34 = tpu.vector_load %arg8[%swap3A_32, %swap3A_33] {strides = array<i32>} : memref<64x768xf32, #tpu.memory_space<vmem>>, vector<1x16xf32>,
        %swap3A_35 = vector.shape_cast %swap3A_34 : vector<1x16xf32> to vector<16xf32>
        %swap3A_36 = vector.shape_cast %broadcast_in_dim3A_7 : vector<16xf32> to vector<1x16xf32>
        tpu.vector_store %arg8[%swap3A_32, %swap3A_33], %swap3A_36 {strides = array<i32>} : memref<64x768xf32, #tpu.memory_space<vmem>>, vector<1x16xf32>,
        %swap3A_37 = arith.index_cast %scan3A_13 : i32 to index
        %swap3A_38 = arith.constant 64 : index
        %swap3A_39 = tpu.vector_load %arg8[%swap3A_37, %swap3A_38] {strides = array<i32>} : memref<64x768xf32, #tpu.memory_space<vmem>>, vector<1x16xf32>,
        %swap3A_40 = vector.shape_cast %swap3A_39 : vector<1x16xf32> to vector<16xf32>
        %swap3A_41 = vector.shape_cast %broadcast_in_dim3A_7 : vector<16xf32> to vector<1x16xf32>
        tpu.vector_store %arg8[%swap3A_37, %swap3A_38], %swap3A_41 {strides = array<i32>} : memref<64x768xf32, #tpu.memory_space<vmem>>, vector<1x16xf32>,
        %swap3A_42 = arith.index_cast %scan3A_13 : i32 to index
        %swap3A_43 = arith.constant 80 : index
        %swap3A_44 = tpu.vector_load %arg8[%swap3A_42, %swap3A_43] {strides = array<i32>} : memref<64x768xf32, #tpu.memory_space<vmem>>, vector<1x16xf32>,
        %swap3A_45 = vector.shape_cast %swap3A_44 : vector<1x16xf32> to vector<16xf32>
        %swap3A_46 = vector.shape_cast %broadcast_in_dim3A_7 : vector<16xf32> to vector<1x16xf32>
        tpu.vector_store %arg8[%swap3A_42, %swap3A_43], %swap3A_46 {strides = array<i32>} : memref<64x768xf32, #tpu.memory_space<vmem>>, vector<1x16xf32>,
        %swap3A_47 = arith.index_cast %scan3A_13 : i32 to index
        %swap3A_48 = arith.constant 96 : index
        %swap3A_49 = tpu.vector_load %arg8[%swap3A_47, %swap3A_48] {strides = array<i32>} : memref<64x768xf32, #tpu.memory_space<vmem>>, vector<1x16xf32>,
        %swap3A_50 = vector.shape_cast %swap3A_49 : vector<1x16xf32> to vector<16xf32>
        %swap3A_51 = vector.shape_cast %broadcast_in_dim3A_7 : vector<16xf32> to vector<1x16xf32>
        tpu.vector_store %arg8[%swap3A_47, %swap3A_48], %swap3A_51 {strides = array<i32>} : memref<64x768xf32, #tpu.memory_space<vmem>>, vector<1x16xf32>,
        %swap3A_52 = arith.index_cast %scan3A_13 : i32 to index
        %swap3A_53 = arith.constant 112 : index
        %swap3A_54 = tpu.vector_load %arg8[%swap3A_52, %swap3A_53] {strides = array<i32>} : memref<64x768xf32, #tpu.memory_space<vmem>>, vector<1x16xf32>,
        %swap3A_55 = vector.shape_cast %swap3A_54 : vector<1x16xf32> to vector<16xf32>
        %swap3A_56 = vector.shape_cast %broadcast_in_dim3A_7 : vector<16xf32> to vector<1x16xf32>
        tpu.vector_store %arg8[%swap3A_52, %swap3A_53], %swap3A_56 {strides = array<i32>} : memref<64x768xf32, #tpu.memory_space<vmem>>, vector<1x16xf32>,
        %swap3A_57 = arith.index_cast %scan3A_13 : i32 to index
        %swap3A_58 = arith.constant 128 : index
        %swap3A_59 = tpu.vector_load %arg8[%swap3A_57, %swap3A_58] {strides = array<i32>} : memref<64x768xf32, #tpu.memory_space<vmem>>, vector<1x16xf32>,
        %swap3A_60 = vector.shape_cast %swap3A_59 : vector<1x16xf32> to vector<16xf32>
        %swap3A_61 = vector.shape_cast %broadcast_in_dim3A_7 : vector<16xf32> to vector<1x16xf32>
        tpu.vector_store %arg8[%swap3A_57, %swap3A_58], %swap3A_61 {strides = array<i32>} : memref<64x768xf32, #tpu.memory_space<vmem>>, vector<1x16xf32>,
        %swap3A_62 = arith.index_cast %scan3A_13 : i32 to index
        %swap3A_63 = arith.constant 144 : index
        %swap3A_64 = tpu.vector_load %arg8[%swap3A_62, %swap3A_63] {strides = array<i32>} : memref<64x768xf32, #tpu.memory_space<vmem>>, vector<1x16xf32>,
        %swap3A_65 = vector.shape_cast %swap3A_64 : vector<1x16xf32> to vector<16xf32>
        %swap3A_66 = vector.shape_cast %broadcast_in_dim3A_7 : vector<16xf32> to vector<1x16xf32>
        tpu.vector_store %arg8[%swap3A_62, %swap3A_63], %swap3A_66 {strides = array<i32>} : memref<64x768xf32, #tpu.memory_space<vmem>>, vector<1x16xf32>,
        %swap3A_67 = arith.index_cast %scan3A_13 : i32 to index
        %swap3A_68 = arith.constant 160 : index
        %swap3A_69 = tpu.vector_load %arg8[%swap3A_67, %swap3A_68] {strides = array<i32>} : memref<64x768xf32, #tpu.memory_space<vmem>>, vector<1x16xf32>,
        %swap3A_70 = vector.shape_cast %swap3A_69 : vector<1x16xf32> to vector<16xf32>
        %swap3A_71 = vector.shape_cast %broadcast_in_dim3A_7 : vector<16xf32> to vector<1x16xf32>
        tpu.vector_store %arg8[%swap3A_67, %swap3A_68], %swap3A_71 {strides = array<i32>} : memref<64x768xf32, #tpu.memory_space<vmem>>, vector<1x16xf32>,
        %swap3A_72 = arith.index_cast %scan3A_13 : i32 to index
        %swap3A_73 = arith.constant 176 : index
        %swap3A_74 = tpu.vector_load %arg8[%swap3A_72, %swap3A_73] {strides = array<i32>} : memref<64x768xf32, #tpu.memory_space<vmem>>, vector<1x16xf32>,
        %swap3A_75 = vector.shape_cast %swap3A_74 : vector<1x16xf32> to vector<16xf32>
        %swap3A_76 = vector.shape_cast %broadcast_in_dim3A_7 : vector<16xf32> to vector<1x16xf32>
        tpu.vector_store %arg8[%swap3A_72, %swap3A_73], %swap3A_76 {strides = array<i32>} : memref<64x768xf32, #tpu.memory_space<vmem>>, vector<1x16xf32>,
        %swap3A_77 = arith.index_cast %scan3A_13 : i32 to index
        %swap3A_78 = arith.constant 192 : index
        %swap3A_79 = tpu.vector_load %arg8[%swap3A_77, %swap3A_78] {strides = array<i32>} : memref<64x768xf32, #tpu.memory_space<vmem>>, vector<1x16xf32>,
        %swap3A_80 = vector.shape_cast %swap3A_79 : vector<1x16xf32> to vector<16xf32>
        %swap3A_81 = vector.shape_cast %broadcast_in_dim3A_7 : vector<16xf32> to vector<1x16xf32>
        tpu.vector_store %arg8[%swap3A_77, %swap3A_78], %swap3A_81 {strides = array<i32>} : memref<64x768xf32, #tpu.memory_space<vmem>>, vector<1x16xf32>,
        %swap3A_82 = arith.index_cast %scan3A_13 : i32 to index
        %swap3A_83 = arith.constant 208 : index
        %swap3A_84 = tpu.vector_load %arg8[%swap3A_82, %swap3A_83] {strides = array<i32>} : memref<64x768xf32, #tpu.memory_space<vmem>>, vector<1x16xf32>,
        %swap3A_85 = vector.shape_cast %swap3A_84 : vector<1x16xf32> to vector<16xf32>
        %swap3A_86 = vector.shape_cast %broadcast_in_dim3A_7 : vector<16xf32> to vector<1x16xf32>
        tpu.vector_store %arg8[%swap3A_82, %swap3A_83], %swap3A_86 {strides = array<i32>} : memref<64x768xf32, #tpu.memory_space<vmem>>, vector<1x16xf32>,
        %swap3A_87 = arith.index_cast %scan3A_13 : i32 to index
        %swap3A_88 = arith.constant 224 : index
        %swap3A_89 = tpu.vector_load %arg8[%swap3A_87, %swap3A_88] {strides = array<i32>} : memref<64x768xf32, #tpu.memory_space<vmem>>, vector<1x16xf32>,
        %swap3A_90 = vector.shape_cast %swap3A_89 : vector<1x16xf32> to vector<16xf32>
        %swap3A_91 = vector.shape_cast %broadcast_in_dim3A_7 : vector<16xf32> to vector<1x16xf32>
        tpu.vector_store %arg8[%swap3A_87, %swap3A_88], %swap3A_91 {strides = array<i32>} : memref<64x768xf32, #tpu.memory_space<vmem>>, vector<1x16xf32>,
        %swap3A_92 = arith.index_cast %scan3A_13 : i32 to index
        %swap3A_93 = arith.constant 240 : index
        %swap3A_94 = tpu.vector_load %arg8[%swap3A_92, %swap3A_93] {strides = array<i32>} : memref<64x768xf32, #tpu.memory_space<vmem>>, vector<1x16xf32>,
        %swap3A_95 = vector.shape_cast %swap3A_94 : vector<1x16xf32> to vector<16xf32>
        %swap3A_96 = vector.shape_cast %broadcast_in_dim3A_7 : vector<16xf32> to vector<1x16xf32>
        tpu.vector_store %arg8[%swap3A_92, %swap3A_93], %swap3A_96 {strides = array<i32>} : memref<64x768xf32, #tpu.memory_space<vmem>>, vector<1x16xf32>,
        %swap3A_97 = arith.index_cast %scan3A_13 : i32 to index
        %swap3A_98 = arith.constant 256 : index
        %swap3A_99 = tpu.vector_load %arg8[%swap3A_97, %swap3A_98] {strides = array<i32>} : memref<64x768xf32, #tpu.memory_space<vmem>>, vector<1x16xf32>,
        %swap3A_100 = vector.shape_cast %swap3A_99 : vector<1x16xf32> to vector<16xf32>
        %swap3A_101 = vector.shape_cast %broadcast_in_dim3A_7 : vector<16xf32> to vector<1x16xf32>
        tpu.vector_store %arg8[%swap3A_97, %swap3A_98], %swap3A_101 {strides = array<i32>} : memref<64x768xf32, #tpu.memory_space<vmem>>, vector<1x16xf32>,
        %swap3A_102 = arith.index_cast %scan3A_13 : i32 to index
        %swap3A_103 = arith.constant 272 : index
        %swap3A_104 = tpu.vector_load %arg8[%swap3A_102, %swap3A_103] {strides = array<i32>} : memref<64x768xf32, #tpu.memory_space<vmem>>, vector<1x16xf32>,
        %swap3A_105 = vector.shape_cast %swap3A_104 : vector<1x16xf32> to vector<16xf32>
        %swap3A_106 = vector.shape_cast %broadcast_in_dim3A_7 : vector<16xf32> to vector<1x16xf32>
        tpu.vector_store %arg8[%swap3A_102, %swap3A_103], %swap3A_106 {strides = array<i32>} : memref<64x768xf32, #tpu.memory_space<vmem>>, vector<1x16xf32>,
        %swap3A_107 = arith.index_cast %scan3A_13 : i32 to index
        %swap3A_108 = arith.constant 288 : index
        %swap3A_109 = tpu.vector_load %arg8[%swap3A_107, %swap3A_108] {strides = array<i32>} : memref<64x768xf32, #tpu.memory_space<vmem>>, vector<1x16xf32>,
        %swap3A_110 = vector.shape_cast %swap3A_109 : vector<1x16xf32> to vector<16xf32>
        %swap3A_111 = vector.shape_cast %broadcast_in_dim3A_7 : vector<16xf32> to vector<1x16xf32>
        tpu.vector_store %arg8[%swap3A_107, %swap3A_108], %swap3A_111 {strides = array<i32>} : memref<64x768xf32, #tpu.memory_space<vmem>>, vector<1x16xf32>,
        %swap3A_112 = arith.index_cast %scan3A_13 : i32 to index
        %swap3A_113 = arith.constant 304 : index
        %swap3A_114 = tpu.vector_load %arg8[%swap3A_112, %swap3A_113] {strides = array<i32>} : memref<64x768xf32, #tpu.memory_space<vmem>>, vector<1x16xf32>,
        %swap3A_115 = vector.shape_cast %swap3A_114 : vector<1x16xf32> to vector<16xf32>
        %swap3A_116 = vector.shape_cast %broadcast_in_dim3A_7 : vector<16xf32> to vector<1x16xf32>
        tpu.vector_store %arg8[%swap3A_112, %swap3A_113], %swap3A_116 {strides = array<i32>} : memref<64x768xf32, #tpu.memory_space<vmem>>, vector<1x16xf32>,
        %swap3A_117 = arith.index_cast %scan3A_13 : i32 to index
        %swap3A_118 = arith.constant 320 : index
        %swap3A_119 = tpu.vector_load %arg8[%swap3A_117, %swap3A_118] {strides = array<i32>} : memref<64x768xf32, #tpu.memory_space<vmem>>, vector<1x16xf32>,
        %swap3A_120 = vector.shape_cast %swap3A_119 : vector<1x16xf32> to vector<16xf32>
        %swap3A_121 = vector.shape_cast %broadcast_in_dim3A_7 : vector<16xf32> to vector<1x16xf32>
        tpu.vector_store %arg8[%swap3A_117, %swap3A_118], %swap3A_121 {strides = array<i32>} : memref<64x768xf32, #tpu.memory_space<vmem>>, vector<1x16xf32>,
        %swap3A_122 = arith.index_cast %scan3A_13 : i32 to index
        %swap3A_123 = arith.constant 336 : index
        %swap3A_124 = tpu.vector_load %arg8[%swap3A_122, %swap3A_123] {strides = array<i32>} : memref<64x768xf32, #tpu.memory_space<vmem>>, vector<1x16xf32>,
        %swap3A_125 = vector.shape_cast %swap3A_124 : vector<1x16xf32> to vector<16xf32>
        %swap3A_126 = vector.shape_cast %broadcast_in_dim3A_7 : vector<16xf32> to vector<1x16xf32>
        tpu.vector_store %arg8[%swap3A_122, %swap3A_123], %swap3A_126 {strides = array<i32>} : memref<64x768xf32, #tpu.memory_space<vmem>>, vector<1x16xf32>,
        %swap3A_127 = arith.index_cast %scan3A_13 : i32 to index
        %swap3A_128 = arith.constant 352 : index
        %swap3A_129 = tpu.vector_load %arg8[%swap3A_127, %swap3A_128] {strides = array<i32>} : memref<64x768xf32, #tpu.memory_space<vmem>>, vector<1x16xf32>,
        %swap3A_130 = vector.shape_cast %swap3A_129 : vector<1x16xf32> to vector<16xf32>
        %swap3A_131 = vector.shape_cast %broadcast_in_dim3A_7 : vector<16xf32> to vector<1x16xf32>
        tpu.vector_store %arg8[%swap3A_127, %swap3A_128], %swap3A_131 {strides = array<i32>} : memref<64x768xf32, #tpu.memory_space<vmem>>, vector<1x16xf32>,
        %swap3A_132 = arith.index_cast %scan3A_13 : i32 to index
        %swap3A_133 = arith.constant 368 : index
        %swap3A_134 = tpu.vector_load %arg8[%swap3A_132, %swap3A_133] {strides = array<i32>} : memref<64x768xf32, #tpu.memory_space<vmem>>, vector<1x16xf32>,
        %swap3A_135 = vector.shape_cast %swap3A_134 : vector<1x16xf32> to vector<16xf32>
        %swap3A_136 = vector.shape_cast %broadcast_in_dim3A_7 : vector<16xf32> to vector<1x16xf32>
        tpu.vector_store %arg8[%swap3A_132, %swap3A_133], %swap3A_136 {strides = array<i32>} : memref<64x768xf32, #tpu.memory_space<vmem>>, vector<1x16xf32>,
        %swap3A_137 = arith.index_cast %scan3A_13 : i32 to index
        %swap3A_138 = arith.constant 384 : index
        %swap3A_139 = tpu.vector_load %arg8[%swap3A_137, %swap3A_138] {strides = array<i32>} : memref<64x768xf32, #tpu.memory_space<vmem>>, vector<1x16xf32>,
        %swap3A_140 = vector.shape_cast %swap3A_139 : vector<1x16xf32> to vector<16xf32>
        %swap3A_141 = vector.shape_cast %broadcast_in_dim3A_7 : vector<16xf32> to vector<1x16xf32>
        tpu.vector_store %arg8[%swap3A_137, %swap3A_138], %swap3A_141 {strides = array<i32>} : memref<64x768xf32, #tpu.memory_space<vmem>>, vector<1x16xf32>,
        %swap3A_142 = arith.index_cast %scan3A_13 : i32 to index
        %swap3A_143 = arith.constant 400 : index
        %swap3A_144 = tpu.vector_load %arg8[%swap3A_142, %swap3A_143] {strides = array<i32>} : memref<64x768xf32, #tpu.memory_space<vmem>>, vector<1x16xf32>,
        %swap3A_145 = vector.shape_cast %swap3A_144 : vector<1x16xf32> to vector<16xf32>
        %swap3A_146 = vector.shape_cast %broadcast_in_dim3A_7 : vector<16xf32> to vector<1x16xf32>
        tpu.vector_store %arg8[%swap3A_142, %swap3A_143], %swap3A_146 {strides = array<i32>} : memref<64x768xf32, #tpu.memory_space<vmem>>, vector<1x16xf32>,
        %swap3A_147 = arith.index_cast %scan3A_13 : i32 to index
        %swap3A_148 = arith.constant 416 : index
        %swap3A_149 = tpu.vector_load %arg8[%swap3A_147, %swap3A_148] {strides = array<i32>} : memref<64x768xf32, #tpu.memory_space<vmem>>, vector<1x16xf32>,
        %swap3A_150 = vector.shape_cast %swap3A_149 : vector<1x16xf32> to vector<16xf32>
        %swap3A_151 = vector.shape_cast %broadcast_in_dim3A_7 : vector<16xf32> to vector<1x16xf32>
        tpu.vector_store %arg8[%swap3A_147, %swap3A_148], %swap3A_151 {strides = array<i32>} : memref<64x768xf32, #tpu.memory_space<vmem>>, vector<1x16xf32>,
        %swap3A_152 = arith.index_cast %scan3A_13 : i32 to index
        %swap3A_153 = arith.constant 432 : index
        %swap3A_154 = tpu.vector_load %arg8[%swap3A_152, %swap3A_153] {strides = array<i32>} : memref<64x768xf32, #tpu.memory_space<vmem>>, vector<1x16xf32>,
        %swap3A_155 = vector.shape_cast %swap3A_154 : vector<1x16xf32> to vector<16xf32>
        %swap3A_156 = vector.shape_cast %broadcast_in_dim3A_7 : vector<16xf32> to vector<1x16xf32>
        tpu.vector_store %arg8[%swap3A_152, %swap3A_153], %swap3A_156 {strides = array<i32>} : memref<64x768xf32, #tpu.memory_space<vmem>>, vector<1x16xf32>,
        %swap3A_157 = arith.index_cast %scan3A_13 : i32 to index
        %swap3A_158 = arith.constant 448 : index
        %swap3A_159 = tpu.vector_load %arg8[%swap3A_157, %swap3A_158] {strides = array<i32>} : memref<64x768xf32, #tpu.memory_space<vmem>>, vector<1x16xf32>,
        %swap3A_160 = vector.shape_cast %swap3A_159 : vector<1x16xf32> to vector<16xf32>
        %swap3A_161 = vector.shape_cast %broadcast_in_dim3A_7 : vector<16xf32> to vector<1x16xf32>
        tpu.vector_store %arg8[%swap3A_157, %swap3A_158], %swap3A_161 {strides = array<i32>} : memref<64x768xf32, #tpu.memory_space<vmem>>, vector<1x16xf32>,
        %swap3A_162 = arith.index_cast %scan3A_13 : i32 to index
        %swap3A_163 = arith.constant 464 : index
        %swap3A_164 = tpu.vector_load %arg8[%swap3A_162, %swap3A_163] {strides = array<i32>} : memref<64x768xf32, #tpu.memory_space<vmem>>, vector<1x16xf32>,
        %swap3A_165 = vector.shape_cast %swap3A_164 : vector<1x16xf32> to vector<16xf32>
        %swap3A_166 = vector.shape_cast %broadcast_in_dim3A_7 : vector<16xf32> to vector<1x16xf32>
        tpu.vector_store %arg8[%swap3A_162, %swap3A_163], %swap3A_166 {strides = array<i32>} : memref<64x768xf32, #tpu.memory_space<vmem>>, vector<1x16xf32>,
        %swap3A_167 = arith.index_cast %scan3A_13 : i32 to index
        %swap3A_168 = arith.constant 480 : index
        %swap3A_169 = tpu.vector_load %arg8[%swap3A_167, %swap3A_168] {strides = array<i32>} : memref<64x768xf32, #tpu.memory_space<vmem>>, vector<1x16xf32>,
        %swap3A_170 = vector.shape_cast %swap3A_169 : vector<1x16xf32> to vector<16xf32>
        %swap3A_171 = vector.shape_cast %broadcast_in_dim3A_7 : vector<16xf32> to vector<1x16xf32>
        tpu.vector_store %arg8[%swap3A_167, %swap3A_168], %swap3A_171 {strides = array<i32>} : memref<64x768xf32, #tpu.memory_space<vmem>>, vector<1x16xf32>,
        %swap3A_172 = arith.index_cast %scan3A_13 : i32 to index
        %swap3A_173 = arith.constant 496 : index
        %swap3A_174 = tpu.vector_load %arg8[%swap3A_172, %swap3A_173] {strides = array<i32>} : memref<64x768xf32, #tpu.memory_space<vmem>>, vector<1x16xf32>,
        %swap3A_175 = vector.shape_cast %swap3A_174 : vector<1x16xf32> to vector<16xf32>
        %swap3A_176 = vector.shape_cast %broadcast_in_dim3A_7 : vector<16xf32> to vector<1x16xf32>
        tpu.vector_store %arg8[%swap3A_172, %swap3A_173], %swap3A_176 {strides = array<i32>} : memref<64x768xf32, #tpu.memory_space<vmem>>, vector<1x16xf32>,
        %swap3A_177 = arith.index_cast %scan3A_13 : i32 to index
        %swap3A_178 = arith.constant 512 : index
        %swap3A_179 = tpu.vector_load %arg8[%swap3A_177, %swap3A_178] {strides = array<i32>} : memref<64x768xf32, #tpu.memory_space<vmem>>, vector<1x16xf32>,
        %swap3A_180 = vector.shape_cast %swap3A_179 : vector<1x16xf32> to vector<16xf32>
        %swap3A_181 = vector.shape_cast %broadcast_in_dim3A_7 : vector<16xf32> to vector<1x16xf32>
        tpu.vector_store %arg8[%swap3A_177, %swap3A_178], %swap3A_181 {strides = array<i32>} : memref<64x768xf32, #tpu.memory_space<vmem>>, vector<1x16xf32>,
        %swap3A_182 = arith.index_cast %scan3A_13 : i32 to index
        %swap3A_183 = arith.constant 528 : index
        %swap3A_184 = tpu.vector_load %arg8[%swap3A_182, %swap3A_183] {strides = array<i32>} : memref<64x768xf32, #tpu.memory_space<vmem>>, vector<1x16xf32>,
        %swap3A_185 = vector.shape_cast %swap3A_184 : vector<1x16xf32> to vector<16xf32>
        %swap3A_186 = vector.shape_cast %broadcast_in_dim3A_7 : vector<16xf32> to vector<1x16xf32>
        tpu.vector_store %arg8[%swap3A_182, %swap3A_183], %swap3A_186 {strides = array<i32>} : memref<64x768xf32, #tpu.memory_space<vmem>>, vector<1x16xf32>,
        %swap3A_187 = arith.index_cast %scan3A_13 : i32 to index
        %swap3A_188 = arith.constant 544 : index
        %swap3A_189 = tpu.vector_load %arg8[%swap3A_187, %swap3A_188] {strides = array<i32>} : memref<64x768xf32, #tpu.memory_space<vmem>>, vector<1x16xf32>,
        %swap3A_190 = vector.shape_cast %swap3A_189 : vector<1x16xf32> to vector<16xf32>
        %swap3A_191 = vector.shape_cast %broadcast_in_dim3A_7 : vector<16xf32> to vector<1x16xf32>
        tpu.vector_store %arg8[%swap3A_187, %swap3A_188], %swap3A_191 {strides = array<i32>} : memref<64x768xf32, #tpu.memory_space<vmem>>, vector<1x16xf32>,
        %swap3A_192 = arith.index_cast %scan3A_13 : i32 to index
        %swap3A_193 = arith.constant 560 : index
        %swap3A_194 = tpu.vector_load %arg8[%swap3A_192, %swap3A_193] {strides = array<i32>} : memref<64x768xf32, #tpu.memory_space<vmem>>, vector<1x16xf32>,
        %swap3A_195 = vector.shape_cast %swap3A_194 : vector<1x16xf32> to vector<16xf32>
        %swap3A_196 = vector.shape_cast %broadcast_in_dim3A_7 : vector<16xf32> to vector<1x16xf32>
        tpu.vector_store %arg8[%swap3A_192, %swap3A_193], %swap3A_196 {strides = array<i32>} : memref<64x768xf32, #tpu.memory_space<vmem>>, vector<1x16xf32>,
        %swap3A_197 = arith.index_cast %scan3A_13 : i32 to index
        %swap3A_198 = arith.constant 576 : index
        %swap3A_199 = tpu.vector_load %arg8[%swap3A_197, %swap3A_198] {strides = array<i32>} : memref<64x768xf32, #tpu.memory_space<vmem>>, vector<1x16xf32>,
        %swap3A_200 = vector.shape_cast %swap3A_199 : vector<1x16xf32> to vector<16xf32>
        %swap3A_201 = vector.shape_cast %broadcast_in_dim3A_7 : vector<16xf32> to vector<1x16xf32>
        tpu.vector_store %arg8[%swap3A_197, %swap3A_198], %swap3A_201 {strides = array<i32>} : memref<64x768xf32, #tpu.memory_space<vmem>>, vector<1x16xf32>,
        %swap3A_202 = arith.index_cast %scan3A_13 : i32 to index
        %swap3A_203 = arith.constant 592 : index
        %swap3A_204 = tpu.vector_load %arg8[%swap3A_202, %swap3A_203] {strides = array<i32>} : memref<64x768xf32, #tpu.memory_space<vmem>>, vector<1x16xf32>,
        %swap3A_205 = vector.shape_cast %swap3A_204 : vector<1x16xf32> to vector<16xf32>
        %swap3A_206 = vector.shape_cast %broadcast_in_dim3A_7 : vector<16xf32> to vector<1x16xf32>
        tpu.vector_store %arg8[%swap3A_202, %swap3A_203], %swap3A_206 {strides = array<i32>} : memref<64x768xf32, #tpu.memory_space<vmem>>, vector<1x16xf32>,
        %swap3A_207 = arith.index_cast %scan3A_13 : i32 to index
        %swap3A_208 = arith.constant 608 : index
        %swap3A_209 = tpu.vector_load %arg8[%swap3A_207, %swap3A_208] {strides = array<i32>} : memref<64x768xf32, #tpu.memory_space<vmem>>, vector<1x16xf32>,
        %swap3A_210 = vector.shape_cast %swap3A_209 : vector<1x16xf32> to vector<16xf32>
        %swap3A_211 = vector.shape_cast %broadcast_in_dim3A_7 : vector<16xf32> to vector<1x16xf32>
        tpu.vector_store %arg8[%swap3A_207, %swap3A_208], %swap3A_211 {strides = array<i32>} : memref<64x768xf32, #tpu.memory_space<vmem>>, vector<1x16xf32>,
        %swap3A_212 = arith.index_cast %scan3A_13 : i32 to index
        %swap3A_213 = arith.constant 624 : index
        %swap3A_214 = tpu.vector_load %arg8[%swap3A_212, %swap3A_213] {strides = array<i32>} : memref<64x768xf32, #tpu.memory_space<vmem>>, vector<1x16xf32>,
        %swap3A_215 = vector.shape_cast %swap3A_214 : vector<1x16xf32> to vector<16xf32>
        %swap3A_216 = vector.shape_cast %broadcast_in_dim3A_7 : vector<16xf32> to vector<1x16xf32>
        tpu.vector_store %arg8[%swap3A_212, %swap3A_213], %swap3A_216 {strides = array<i32>} : memref<64x768xf32, #tpu.memory_space<vmem>>, vector<1x16xf32>,
        %swap3A_217 = arith.index_cast %scan3A_13 : i32 to index
        %swap3A_218 = arith.constant 640 : index
        %swap3A_219 = tpu.vector_load %arg8[%swap3A_217, %swap3A_218] {strides = array<i32>} : memref<64x768xf32, #tpu.memory_space<vmem>>, vector<1x16xf32>,
        %swap3A_220 = vector.shape_cast %swap3A_219 : vector<1x16xf32> to vector<16xf32>
        %swap3A_221 = vector.shape_cast %broadcast_in_dim3A_7 : vector<16xf32> to vector<1x16xf32>
        tpu.vector_store %arg8[%swap3A_217, %swap3A_218], %swap3A_221 {strides = array<i32>} : memref<64x768xf32, #tpu.memory_space<vmem>>, vector<1x16xf32>,
        %swap3A_222 = arith.index_cast %scan3A_13 : i32 to index
        %swap3A_223 = arith.constant 656 : index
        %swap3A_224 = tpu.vector_load %arg8[%swap3A_222, %swap3A_223] {strides = array<i32>} : memref<64x768xf32, #tpu.memory_space<vmem>>, vector<1x16xf32>,
        %swap3A_225 = vector.shape_cast %swap3A_224 : vector<1x16xf32> to vector<16xf32>
        %swap3A_226 = vector.shape_cast %broadcast_in_dim3A_7 : vector<16xf32> to vector<1x16xf32>
        tpu.vector_store %arg8[%swap3A_222, %swap3A_223], %swap3A_226 {strides = array<i32>} : memref<64x768xf32, #tpu.memory_space<vmem>>, vector<1x16xf32>,
        %swap3A_227 = arith.index_cast %scan3A_13 : i32 to index
        %swap3A_228 = arith.constant 672 : index
        %swap3A_229 = tpu.vector_load %arg8[%swap3A_227, %swap3A_228] {strides = array<i32>} : memref<64x768xf32, #tpu.memory_space<vmem>>, vector<1x16xf32>,
        %swap3A_230 = vector.shape_cast %swap3A_229 : vector<1x16xf32> to vector<16xf32>
        %swap3A_231 = vector.shape_cast %broadcast_in_dim3A_7 : vector<16xf32> to vector<1x16xf32>
        tpu.vector_store %arg8[%swap3A_227, %swap3A_228], %swap3A_231 {strides = array<i32>} : memref<64x768xf32, #tpu.memory_space<vmem>>, vector<1x16xf32>,
        %swap3A_232 = arith.index_cast %scan3A_13 : i32 to index
        %swap3A_233 = arith.constant 688 : index
        %swap3A_234 = tpu.vector_load %arg8[%swap3A_232, %swap3A_233] {strides = array<i32>} : memref<64x768xf32, #tpu.memory_space<vmem>>, vector<1x16xf32>,
        %swap3A_235 = vector.shape_cast %swap3A_234 : vector<1x16xf32> to vector<16xf32>
        %swap3A_236 = vector.shape_cast %broadcast_in_dim3A_7 : vector<16xf32> to vector<1x16xf32>
        tpu.vector_store %arg8[%swap3A_232, %swap3A_233], %swap3A_236 {strides = array<i32>} : memref<64x768xf32, #tpu.memory_space<vmem>>, vector<1x16xf32>,
        %swap3A_237 = arith.index_cast %scan3A_13 : i32 to index
        %swap3A_238 = arith.constant 704 : index
        %swap3A_239 = tpu.vector_load %arg8[%swap3A_237, %swap3A_238] {strides = array<i32>} : memref<64x768xf32, #tpu.memory_space<vmem>>, vector<1x16xf32>,
        %swap3A_240 = vector.shape_cast %swap3A_239 : vector<1x16xf32> to vector<16xf32>
        %swap3A_241 = vector.shape_cast %broadcast_in_dim3A_7 : vector<16xf32> to vector<1x16xf32>
        tpu.vector_store %arg8[%swap3A_237, %swap3A_238], %swap3A_241 {strides = array<i32>} : memref<64x768xf32, #tpu.memory_space<vmem>>, vector<1x16xf32>,
        %swap3A_242 = arith.index_cast %scan3A_13 : i32 to index
        %swap3A_243 = arith.constant 720 : index
        %swap3A_244 = tpu.vector_load %arg8[%swap3A_242, %swap3A_243] {strides = array<i32>} : memref<64x768xf32, #tpu.memory_space<vmem>>, vector<1x16xf32>,
        %swap3A_245 = vector.shape_cast %swap3A_244 : vector<1x16xf32> to vector<16xf32>
        %swap3A_246 = vector.shape_cast %broadcast_in_dim3A_7 : vector<16xf32> to vector<1x16xf32>
        tpu.vector_store %arg8[%swap3A_242, %swap3A_243], %swap3A_246 {strides = array<i32>} : memref<64x768xf32, #tpu.memory_space<vmem>>, vector<1x16xf32>,
        %swap3A_247 = arith.index_cast %scan3A_13 : i32 to index
        %swap3A_248 = arith.constant 736 : index
        %swap3A_249 = tpu.vector_load %arg8[%swap3A_247, %swap3A_248] {strides = array<i32>} : memref<64x768xf32, #tpu.memory_space<vmem>>, vector<1x16xf32>,
        %swap3A_250 = vector.shape_cast %swap3A_249 : vector<1x16xf32> to vector<16xf32>
        %swap3A_251 = vector.shape_cast %broadcast_in_dim3A_7 : vector<16xf32> to vector<1x16xf32>
        tpu.vector_store %arg8[%swap3A_247, %swap3A_248], %swap3A_251 {strides = array<i32>} : memref<64x768xf32, #tpu.memory_space<vmem>>, vector<1x16xf32>,
        %swap3A_252 = arith.index_cast %scan3A_13 : i32 to index
        %swap3A_253 = arith.constant 752 : index
        %swap3A_254 = tpu.vector_load %arg8[%swap3A_252, %swap3A_253] {strides = array<i32>} : memref<64x768xf32, #tpu.memory_space<vmem>>, vector<1x16xf32>,
        %swap3A_255 = vector.shape_cast %swap3A_254 : vector<1x16xf32> to vector<16xf32>
        %swap3A_256 = vector.shape_cast %broadcast_in_dim3A_7 : vector<16xf32> to vector<1x16xf32>
        tpu.vector_store %arg8[%swap3A_252, %swap3A_253], %swap3A_256 {strides = array<i32>} : memref<64x768xf32, #tpu.memory_space<vmem>>, vector<1x16xf32>,
      } else {
      }
    }
    %scan3A_12 = arith.constant 64 : i32
    "tpu.region"() ({
      %run_scoped3A = tpu.sem_alloc : memref<!tpu.dma_semaphore, #tpu.memory_space<semaphore_mem>>
      %dma_start3A_13 = arith.constant 0 : i32
      %dma_start3A_14 = tpu.memref_slice %arg5[%mul3A_2, %dma_start3A_13] : memref<2048x768xf32, #tpu.memory_space<hbm>> -> memref<64x768xf32, #tpu.memory_space<hbm>>
      %dma_start3A_15 = arith.constant 0 : i32
      %dma_start3A_16 = tpu.memref_slice %arg5[%mul3A_2, %dma_start3A_15] : memref<2048x768xf32, #tpu.memory_space<hbm>> -> memref<64x768xf32, #tpu.memory_space<hbm>>
      tpu.enqueue_dma source(%arg8 : memref<64x768xf32, #tpu.memory_space<vmem>>) target(%dma_start3A_16 : memref<64x768xf32, #tpu.memory_space<hbm>>) target_semaphore(%run_scoped3A : memref<!tpu.dma_semaphore, #tpu.memory_space<semaphore_mem>>)
      %dma_wait3A_17 = arith.constant 0 : i32
      %dma_wait3A_18 = tpu.memref_slice %arg5[%mul3A_2, %dma_wait3A_17] : memref<2048x768xf32, #tpu.memory_space<hbm>> -> memref<64x768xf32, #tpu.memory_space<hbm>>
      %dma_wait3A_19 = arith.constant 0 : i32
      %dma_wait3A_20 = tpu.memref_slice %arg5[%mul3A_2, %dma_wait3A_19] : memref<2048x768xf32, #tpu.memory_space<hbm>> -> memref<64x768xf32, #tpu.memory_space<hbm>>
      tpu.wait_dma2 semaphore(%run_scoped3A : memref<!tpu.dma_semaphore, #tpu.memory_space<semaphore_mem>>) src(%arg8 : memref<64x768xf32, #tpu.memory_space<vmem>>) dst(%dma_wait3A_20 : memref<64x768xf32, #tpu.memory_space<hbm>>)
      tpu.yield
    }) : () -> ()
    return
  }
}

module attributes {stable_mosaic.version = 14 : i64} {
  func.func @_argmin_body(%arg0: i32, %arg1: memref<256x768xf32, #tpu.memory_space<vmem>>, %arg2: memref<256x768xbf16, #tpu.memory_space<vmem>>, %arg3: memref<5000x768xf32, #tpu.memory_space<vmem>>, %arg4: memref<5000x768xbf16, #tpu.memory_space<vmem>>, %arg5: memref<256xi32, #tpu.memory_space<vmem>>) attributes {dimension_semantics = [#tpu.dimension_semantics<arbitrary>], iteration_bounds = array<i64: 8>, scalar_prefetch = 0 : i64, scratch_operands = 0 : i64, tpu.core_type = #tpu.core_type<tc>, window_params = [{transform_indices = @transform_0, window_bounds = array<i64: 256, 768>}, {transform_indices = @transform_1, window_bounds = array<i64: 256, 768>}, {pipeline_mode = #tpu.pipeline_mode<synchronous>, transform_indices = @transform_2, window_bounds = array<i64: 5000, 768>}, {pipeline_mode = #tpu.pipeline_mode<synchronous>, transform_indices = @transform_3, window_bounds = array<i64: 5000, 768>}, {transform_indices = @transform_4, window_bounds = array<i64: 256>}]} {
    %get3A = arith.constant 0 : index
    %get3A_0 = arith.constant 0 : index
    %get3A_1 = vector.load %arg1[%get3A, %get3A_0] : memref<256x768xf32, #tpu.memory_space<vmem>>, vector<256x768xf32>
    %get3A_2 = arith.constant 0 : index
    %get3A_3 = arith.constant 0 : index
    %get3A_4 = vector.load %arg3[%get3A_2, %get3A_3] : memref<5000x768xf32, #tpu.memory_space<vmem>>, vector<5000x768xf32>
    %get3A_5 = arith.constant 0 : index
    %get3A_6 = arith.constant 0 : index
    %get3A_7 = vector.load %arg2[%get3A_5, %get3A_6] : memref<256x768xbf16, #tpu.memory_space<vmem>>, vector<256x768xbf16>
    %get3A_8 = arith.constant 0 : index
    %get3A_9 = arith.constant 0 : index
    %get3A_10 = vector.load %arg4[%get3A_8, %get3A_9] : memref<5000x768xbf16, #tpu.memory_space<vmem>>, vector<5000x768xbf16>
    %dot_general3A = arith.constant dense<0.000000e+00> : vector<256x5000xf32>
    %dot_general3A_11 = tpu.matmul %get3A_7, %get3A_10, %dot_general3A {dimension_numbers = #tpu.dot_dimension_numbers<[1], [1], [0], [0], [0, 0, 1, 0], [], []>, transpose_lhs_hint = false} : vector<256x768xbf16>, vector<5000x768xbf16>, vector<256x5000xf32> -> vector<256x5000xf32>
    %mul3A = arith.mulf %get3A_4, %get3A_4 : vector<5000x768xf32>
    %reduce_sum3A = arith.constant dense<0.000000e+00> : vector<5000xf32>
    %reduce_sum3A_12 = vector.multi_reduction <add>, %mul3A, %reduce_sum3A [1] : vector<5000x768xf32> to vector<5000xf32>
    %mul3A_13 = arith.mulf %get3A_1, %get3A_1 : vector<256x768xf32>
    %reduce_sum3A_14 = arith.constant dense<0.000000e+00> : vector<256xf32>
    %reduce_sum3A_15 = vector.multi_reduction <add>, %mul3A_13, %reduce_sum3A_14 [1] : vector<256x768xf32> to vector<256xf32>
    %broadcast_in_dim3A = vector.shape_cast %reduce_sum3A_15 : vector<256xf32> to vector<256x1xf32>
    %mul3A_16 = arith.constant 2.000000e+00 : f32
    %mul3A_17 = vector.broadcast %mul3A_16 : f32 to vector<256x5000xf32>
    %mul3A_18 = arith.mulf %mul3A_17, %dot_general3A_11 : vector<256x5000xf32>
    %sub3A = vector.broadcast %broadcast_in_dim3A : vector<256x1xf32> to vector<256x5000xf32>
    %sub3A_19 = arith.subf %sub3A, %mul3A_18 : vector<256x5000xf32>
    %broadcast_in_dim3A_20 = vector.shape_cast %reduce_sum3A_12 : vector<5000xf32> to vector<1x5000xf32>
    %add3A = vector.broadcast %broadcast_in_dim3A_20 : vector<1x5000xf32> to vector<256x5000xf32>
    %add3A_21 = arith.addf %sub3A_19, %add3A : vector<256x5000xf32>
    %reduce_min3A = arith.constant dense<0x7F800000> : vector<256xf32>
    %reduce_min3A_22 = vector.multi_reduction <minimumf>, %add3A_21, %reduce_min3A [1] : vector<256x5000xf32> to vector<256xf32>
    %broadcast_in_dim3A_23 = vector.shape_cast %reduce_min3A_22 : vector<256xf32> to vector<256x1xf32>
    %iota3A = tpu.iota {dimensions = array<i32: 1>} : vector<256x5000xi32>
    %eq3A = vector.broadcast %broadcast_in_dim3A_23 : vector<256x1xf32> to vector<256x5000xf32>
    %eq3A_24 = arith.cmpf oeq, %add3A_21, %eq3A : vector<256x5000xf32>
    %jit3A = arith.constant 1073741824 : i32
    %broadcast_in_dim3A_25 = vector.broadcast %jit3A : i32 to vector<256x5000xi32>
    %select_n3A = arith.select %eq3A_24, %iota3A, %broadcast_in_dim3A_25 : vector<256x5000xi1>, vector<256x5000xi32>
    %reduce_min3A_26 = arith.constant dense<2147483647> : vector<256xi32>
    %reduce_min3A_27 = vector.multi_reduction <minsi>, %select_n3A, %reduce_min3A_26 [1] : vector<256x5000xi32> to vector<256xi32>
    %swap3A = arith.constant 0 : index
    %swap3A_28 = vector.load %arg5[%swap3A] : memref<256xi32, #tpu.memory_space<vmem>>, vector<256xi32>
    tpu.vector_store %arg5[%swap3A], %reduce_min3A_27 {strides = array<i32>} : memref<256xi32, #tpu.memory_space<vmem>>, vector<256xi32>,
    return
  }
  func.func @transform_0(%arg0: i32) -> (i32, i32) {
    %c0_i32 = arith.constant 0 : i32
    %c0_i32_0 = arith.constant 0 : i32
    return %arg0, %c0_i32 : i32, i32
  }
  func.func @transform_1(%arg0: i32) -> (i32, i32) {
    %c0_i32 = arith.constant 0 : i32
    %c0_i32_0 = arith.constant 0 : i32
    return %arg0, %c0_i32 : i32, i32
  }
  func.func @transform_2(%arg0: i32) -> (i32, i32) {
    %c0_i32 = arith.constant 0 : i32
    %c0_i32_0 = arith.constant 0 : i32
    %c0_i32_1 = arith.constant 0 : i32
    return %c0_i32, %c0_i32_0 : i32, i32
  }
  func.func @transform_3(%arg0: i32) -> (i32, i32) {
    %c0_i32 = arith.constant 0 : i32
    %c0_i32_0 = arith.constant 0 : i32
    %c0_i32_1 = arith.constant 0 : i32
    return %c0_i32, %c0_i32_0 : i32, i32
  }
  func.func @transform_4(%arg0: i32) -> i32 {
    %c0_i32 = arith.constant 0 : i32
    return %arg0 : i32
  }
}

</mosaic_0001>

<sc_bundles>
// kernel: kernel.4.cloned.1.call-start
scs
__scs_entry_jumppad:
0x0: {  	(pc) =	sbr.rel $0x88, $3  }
0x1: {  	(tag) =	ssettag $0x0;
	lr =	simm.s32 $0x1  }
0x2: {  	[smem:$0x3F9E] =	sst lr;
	_ =	strace $0xD0000000  }
0x3: {  	_ = 	snop  }
0x4: {  	_ = 	snop  }
0x5: {  	_ = 	snop  }
0x6: {  	_ = 	snop  }
0x7: {  	_ = 	snop  }
__scs_overlays_trampoline_lowered:
0x8: {  	[smem:$0x3FAD] =	sst s0  }
0x9: {  	[smem:$0x3FAE] =	sst s1  }
0xa: {  	[smem:$0x3FAF] =	sst s2  }
0xb: {  	[smem:$0x3FB0] =	sst s3  }
0xc: {  	[smem:$0x3FB1] =	sst s4  }
0xd: {  	[smem:$0x3FB2] =	sst s5  }
0xe: {  	[smem:$0x3FB3] =	sst s6  }
0xf: {  	[smem:$0x3FB4] =	sst s7  }
0x10: {  	[smem:$0x3FB5] =	sst s8  }
0x11: {  	[smem:$0x3FB6] =	sst s9;
	s0 =	simm.s32 @!p0 $0x0  }
0x12: {  	s1 =	sld [smem:$0x3F9C];
	s0 =	simm.s32 @p0 $0x1  }
0x13: {  	[smem:$0x3FB7] =	sst s0;
	s0 =	simm.s32 @!p1 $0x0  }
0x14: {  	s2 =	sld [smem:$0x3F9B];
	s0 =	simm.s32 @p1 $0x1  }
0x15: {  	[smem:$0x3FB8] =	sst s0;
	s0 =	simm.s32 @!p2 $0x0  }
0x16: {  	s3 =	sld [smem:$0x3FDB];
	s0 =	simm.s32 @p2 $0x1  }
0x17: {  	s4 =	simm.s32 $0x1BF5;
	[smem:$0x3FBA] =	sst s0  }
0x18: {  	s0 =	sld [smem:$0x3F9D];
	_ =	swait.ge [sflag:s4], $0x0  }
0x19: {  	s7 =	sld [smem:$0x3F9E]  }
0x1a: {  	s8 =	sadd.s32 $0xFFFFE003, lr  }
0x1b: {  	s9 =	sadd.s32 $0xFFFFFEF7, lr;
	s5 =	simm.s32 $0xFFFFFFFF;
	p2 =	slt.u32 s8, $0xFFFFF086  }
0x1c: {  	p1 =	slt.u32 s9, $0xF7A;
	s5 =	simm.s32 @!p2 $0x0  }
0x1d: {  	s5 =	simm.s32 @p1 $0x1;
	p0 =	seq.s32 s7, s2  }
0x1e: {  	s7 =	smul.u32 @!p0 $0xF7A, s2;
	p2 =	seq.s32 @!p0 s5, $0x0  }
0x1f: {  	s9 =	smul.u32 $0xF7A, s1;
	s8 =	simm.s32 @!p0 $0x1BF5;
	p2 =	por !p2, p0  }
0x20: {  	[sflag:s8] =	ssyncset.s32 @!p0 $0xFFFFF086;
	s6 =	sadd.s32 @!p0 s3, s7;
	s7 =	simm.s32 @!p0 $0x108  }
0x21: {  	s3 =	sadd.s32 s3, s9;
	s6 =	sadd.s32 @!p0 $0x88, s6;
	s7 =	simm.s32 @p2 $0x1082  }
0x22: {  	[simem:s7], [sflag:s8] =	dma.local @!p0 [hbm:s6], $0xF7A  }
0x23: {  	s9 =	sor.u32 $0xD0000000, s2;
	s6 =	simm.s32 $0x108;
	_ =	swait.ge @!p0 [sflag:s8], $0x0  }
0x24: {  	s3 =	sadd.s32 $0x88, s3;
	s6 =	simm.s32 @!p1 $0x1082;
	[sflag:s4] =	ssyncset.s32 $0xFFFFF086  }
0x25: {  	[simem:s6], [sflag:s4] =	dma.local [hbm:s3], $0xF7A  }
0x26: {  	[smem:$0x3F9E] =	sst s1;
	(tag) =	ssettag s2;
	_ =	strace s9  }
0x27: {  	s1 =	sld [smem:$0x3FAE]  }
0x28: {  	s2 =	sld [smem:$0x3FAF]  }
0x29: {  	s4 =	sld [smem:$0x3FB1]  }
0x2a: {  	p0 =	seq.s32 s5, $0x0;
	s5 =	sld [smem:$0x3FB2]  }
0x2b: {  	s6 =	sld [smem:$0x3FB3]  }
0x2c: {  	s7 =	sld [smem:$0x3FB4]  }
0x2d: {  	s3 =	simm.s32 $0x108;
	s8 =	sld [smem:$0x3FB5]  }
0x2e: {  	s3 =	simm.s32 @!p0 $0x1082;
	s9 =	sld [smem:$0x3FB6]  }
0x2f: {  	lr =	sadd.s32 s0, s3;
	s0 =	sld [smem:$0x3FAD]  }
0x30: {  	s3 =	sld [smem:$0x3FB0]  }
0x31: {  	[smem:$0x3FB9] =	sst s10  }
0x32: {  	s10 =	sld [smem:$0x3FB7];
	_ =	sdelay $0x3  }
0x33: {  	p0 =	seq.s32 s10, $0x1;
	s10 =	sld [smem:$0x3FB9];
	_ =	sdelay $0x3  }
0x34: {  	[smem:$0x3FB9] =	sst s10  }
0x35: {  	s10 =	sld [smem:$0x3FB8];
	_ =	sdelay $0x3  }
0x36: {  	p1 =	seq.s32 s10, $0x1;
	s10 =	sld [smem:$0x3FB9];
	_ =	sdelay $0x3  }
0x37: {  	[smem:$0x3FB9] =	sst s10  }
0x38: {  	s10 =	sld [smem:$0x3FBA]  }
0x39: {  	_ = 	snop;
	(pc) =	sbr.ind lr, $3  }
0x3a: {  	_ = 	snop  }
0x3b: {  	_ = 	snop  }
0x3c: {  	p2 =	seq.s32 s10, $0x1;
	s10 =	sld [smem:$0x3FB9]  }
0x3d: {  	_ =	shalt  }
0x3e: {  	_ =	shalt  }
0x3f: {  	_ =	shalt  }
0x40: {  	_ =	shalt  }
0x41: {  	_ =	shalt  }
0x42: {  	_ =	shalt  }
0x43: {  	_ =	shalt  }
0x44: {  	_ =	shalt  }
0x45: {  	_ =	shalt  }
0x46: {  	_ =	shalt  }
0x47: {  	_ =	shalt  }
0x48: {  	_ =	shalt  }
0x49: {  	_ =	shalt  }
0x4a: {  	_ =	shalt  }
0x4b: {  	_ =	shalt  }
0x4c: {  	_ =	shalt  }
0x4d: {  	_ =	shalt  }
0x4e: {  	_ =	shalt  }
0x4f: {  	_ =	shalt  }
0x50: {  	_ =	shalt  }
0x51: {  	_ =	shalt  }
0x52: {  	_ =	shalt  }
0x53: {  	_ =	shalt  }
0x54: {  	_ =	shalt  }
0x55: {  	_ =	shalt  }
0x56: {  	_ =	shalt  }
0x57: {  	_ =	shalt  }
0x58: {  	_ =	shalt  }
0x59: {  	_ =	shalt  }
0x5a: {  	_ =	shalt  }
0x5b: {  	_ =	shalt  }
0x5c: {  	_ =	shalt  }
0x5d: {  	_ =	shalt  }
0x5e: {  	_ =	shalt  }
0x5f: {  	_ =	shalt  }
0x60: {  	_ =	shalt  }
0x61: {  	_ =	shalt  }
0x62: {  	_ =	shalt  }
0x63: {  	_ =	shalt  }
0x64: {  	_ =	shalt  }
0x65: {  	_ =	shalt  }
0x66: {  	_ =	shalt  }
0x67: {  	_ =	shalt  }
0x68: {  	_ =	shalt  }
0x69: {  	_ =	shalt  }
0x6a: {  	_ =	shalt  }
0x6b: {  	_ =	shalt  }
0x6c: {  	_ =	shalt  }
0x6d: {  	_ =	shalt  }
0x6e: {  	_ =	shalt  }
0x6f: {  	_ =	shalt  }
0x70: {  	_ =	shalt  }
0x71: {  	_ =	shalt  }
0x72: {  	_ =	shalt  }
0x73: {  	_ =	shalt  }
0x74: {  	_ =	shalt  }
0x75: {  	_ =	shalt  }
0x76: {  	_ =	shalt  }
0x77: {  	_ =	shalt  }
0x78: {  	_ =	shalt  }
0x79: {  	_ =	shalt  }
0x7a: {  	_ =	shalt  }
0x7b: {  	_ =	shalt  }
0x7c: {  	_ =	shalt  }
0x7d: {  	_ =	shalt  }
0x7e: {  	_ =	shalt  }
0x7f: {  	_ =	shalt  }
0x80: {  	_ =	shalt  }
0x81: {  	_ =	shalt  }
0x82: {  	_ =	shalt  }
0x83: {  	_ =	shalt  }
0x84: {  	_ =	shalt  }
0x85: {  	_ =	shalt  }
0x86: {  	_ =	shalt  }
0x87: {  	_ =	shalt  }
.Lfunc_end0:
.L_simem_size_0:
called_computation_lowered:
.L_overlay_start_0:
0x88: {  	s2 =	sld [smem:$0x3FD9]  }
0x89: {  	s3 =	sld [smem:$0x3FFE];
	_ =	sdelay $0x1  }
0x8a: {  	s1 =	srdreg.scid  }
0x8b: {  	s0 =	sand.u32 $0x1, s1  }
0x8c: {  	s14 =	sshll.u32 s0, $0xA;
	s2 =	sadd.s32 s3, s2  }
0x8d: {  	s2 =	sadd.s32 s2, s14  }
0x8e: {  	[smem:$0x3FC5] =	sst s2  }
0x8f: {  	_ = 	snop  }
0x90: {  	s2 =	sld [smem:$0x3FD0];
	_ =	sdelay $0x2  }
0x91: {  	s4 =	simm.s32 $0xA;
	s5 =	simm.s32 $0x10;
	s15 =	sld [smem:$0x3FC7]  }
0x92: {  	[smem:s5], [sflag:s4] =	dma.local [hbm:s2], $0x1  }
0x93: {  	_ =	swait.eq [sflag:s4], $0x1  }
0x94: {  	[sflag:s4] =	ssyncset.done $0x0  }
0x95: {  	[sflag:s4] =	ssyncadd.s32 $0xFFFFFFFF  }
0x96: {  	s16 =	sld [smem:$0x10];
	(tm) =	ssettm $0x1  }
0x97: {  	s17 =	sld [smem:$0x3FFB];
	_ =	sdelay $0x3  }
0x98: {  	_ =	strace s17  }
0x99: {  	s4 =	sld [smem:$0x3FFC];
	_ =	sdelay $0x3  }
0x9a: {  	_ =	strace s4  }
0x9b: {  	s4 =	sld [smem:$0x3FFD];
	_ =	sdelay $0x3  }
0x9c: {  	_ =	strace s4  }
0x9d: {  	_ =	strace $0x8FFFFFFF  }
0x9e: {  	s18 =	sld [smem:$0x3FDB];
	_ =	sdelay $0x1  }
0x9f: {  	s19 =	simm.s32 $_scs_section_size  }
0xa0: {  	s6 =	simm.s32 $_size__tile_overlayer_lowered;
	s7 =	simm.s32 $_tile_overlayer_lowered  }
0xa1: {  	s22 =	simm.s32 $0x1BFF;
	s21 =	sshll.u32 s7, $0x1;
	s4 =	sadd.s32 s19, s18  }
0xa2: {  	s8 =	simm.s32 $0x0;
	s20 =	sshll.u32 s6, $0x1;
	s6 =	sadd.s32 s21, s4  }
0xa3: {  	[timem:s8], [sflag:s22] =	dma.local [hbm:s6], s20  }
0xa4: {  	_ =	swait.ge [sflag:s22], s20  }
0xa5: {  	s5 =	ssub.s32 $0x0, s20;
	[sflag:s22] =	ssyncset.done $0x0  }
0xa6: {  	[sflag:s22] =	ssyncadd.s32 s5;
	_ =	sdelay $0x1  }
0xa7: {  	s23 =	simm.s32 $0x1B8B  }
0xa8: {  	_ =	swait.ge [sflag:s23], $0x1  }
0xa9: {  	[sflag:s23] =	ssyncset.done $0x0  }
0xaa: {  	s25 =	simm.s32 $0x1B8E;
	s24 =	sld [smem:$0x3FFE];
	[sflag:s23] =	ssyncadd.s32 $0xFFFFFFFF  }
0xab: {  	s26 =	simm.s32 $execute0_lowered;
	[smem:$0x3FD2] =	sst s25  }
0xac: {  	s6 =	sshll.u32 s26, $0x1;
	_ =	strace $0x80000046;
	[dreg:$0x1] =	wrdreg $0xFFFFFFFF  }
0xad: {  	s28 =	simm.s32 $_size_execute0_lowered;
	s4 =	sadd.s32 s4, s6;
	[dreg:$0x0] =	wrdreg $0x0  }
0xae: {  	s6 =	sshll.u32 s28, $0x1;
	[dreg:$0x2] =	wrdreg s4  }
0xaf: {  	[dreg:$0x3] =	wrdreg s6  }
0xb0: {  	[dreg:$0x4] =	wrdreg $0xC0  }
0xb1: {  	_ =	task [dreg:s8], $0x5FFFF  }
0xb2: {  	[dreg:$0x1] =	wrdreg $0xFFFFFFFF  }
0xb3: {  	[dreg:$0x0] =	wrdreg $0x60  }
0xb4: {  	[dreg:$0x2] =	wrdreg s15  }
0xb5: {  	[dreg:$0x3] =	wrdreg s24  }
0xb6: {  	[dreg:$0x4] =	wrdreg s16  }
0xb7: {  	[dreg:$0x5] =	wrdreg $0x9  }
0xb8: {  	_ =	task.clear_ibuf [dreg:s8], $0x6FFFF;
	_ =	strace $0x90000046  }
0xb9: {  	s29 =	simm.s32 $0x9;
	_ =	strace $0x80000048  }
0xba: {  	_ =	swait.ge [sflag:s29], $0x1  }
0xbb: {  	[sflag:s29] =	ssyncadd.s32 $0xFFFFFFFF  }
0xbc: {  	_ =	strace $0x90000048  }
0xbd: {  	_ =	sfence  }
0xbe: {  	s30 =	sld [smem:$0x0];
	_ =	sdelay $0x2  }
0xbf: {  	s31 =	sshll.u32 s1, $0xD;
	s1 =	sshrl.u32 s1, $0x2  }
0xc0: {  	s3 =	sand.u32 $0x4000, s31;
	s1 =	sadd.s32 s1, s30  }
0xc1: {  	s0 =	sor.u32 s3, s0;
	s1 =	sshll.u32 s1, $0x11  }
0xc2: {  	s0 =	sor.u32 s1, s0  }
0xc3: {  	s0 =	sadd.s32 $0x8F2B, s0  }
0xc4: {  	[sflag:s0] =	ssyncadd.remote.s32 $0x1  }
0xc5: {  	_ =	sfence.sel $0xFFFF  }
0xc6: {  	[dreg:$0x0] =	wrdreg $0xFFFFFFFF;
	(pc) =	sbr.abs _section_cstart, $3  }
0xc7: {  	[dreg:$0x1] =	wrdreg $0xFFFFFFFF  }
0xc8: {  	_ =	task.clear_ibuf [dreg:s8], $0x2FFFF;
	_ =	strace $0x9FFFFFFF  }
0xc9: {  	(tm) =	ssettm $0x7FFFFFFF  }
tec
execute0_lowered:
.L_overlay_start_1:
0x0: {  	(tag) =	ssettag $0x1  }
0x1: {  	s1 =	rddreg [dreg:$0x0]  }
0x2: {  	s0 =	rddreg [dreg:$0x1]  }
0x3: {  	s2 =	rddreg [dreg:$0x2];
	s3 =	simm.s32 $0x0;
	s4 =	srdreg.scid  }
0x4: {  	s5 =	stileid.u32;
	s10 =	simm.s32 $0x2;
	s11 =	simm.s32 $0x100  }
0x5: {  	s21 =	simm.s32 $0x5100;
	s22 =	simm.s32 $0x5900;
	s23 =	simm.s32 $0x6100  }
0x6: {  	s24 =	simm.s32 $0x6900;
	s25 =	simm.s32 $0x7100;
	s28 =	simm.s32 $0x8100  }
0x7: {  	s29 =	simm.s32 $0x8900;
	s30 =	simm.s32 $0x9100;
	s31 =	simm.s32 $0x9900  }
0x8: {  	s12 =	simm.s32 $0xB100;
	s13 =	simm.s32 $0xB900;
	s14 =	simm.s32 $0x1  }
0x9: {  	s15 =	simm.s32 $0x0;
	[smem:$0x7FF] =	sst s3;
	s4 =	sand.u32 $0x1, s4  }
0xa: {  	s5 =	sshll.u32 s5, $0x4;
	s7 =	sadd.s32 $0x200, s1;
	s6 =	sshll.u32 s4, $0x3  }
0xb: {  	s4 =	ssub.s32 $0x2, s4;
	_ =	strace $0x80000047;
	s5 =	sor.u32 s6, s5  }
0xc: {  	s26 =	sshrl.u32 s4, $0x1;
	s6 =	sadd.s32 $0x100, s1;
	s0 =	sadd.s32 s5, s0  }
0xd: {  	v2 =	vlaneseq.u32;
	s9 =	ssub.s32 s4, s26;
	s8 =	smul.u32 $0x300, s5;
	s26 =	simm.s32 $0x7900  }
0xe: {  	vm0 =	vmmov $0xffff;
	v1 =	vshrl.u32 v2, $0x3;
	s4 =	sadd.s32 $0x1400, s0;
	s5 =	sadd.s32 $0x1200, s0;
	s9 =	smax.u32 s9, $0x1  }
0xf: {  	v0 =	vand.u32 $0x7, v2;
	v2 =	vor.u32 $0x8, v2;
	v1 =	vmul.u32 $0x8, v1;
	s0 =	simm.s32 $0xA100;
	s8 =	sadd.s32 s2, s8;
	s2 =	simm.s32 $0xA900  }
.LBB2_1:
0x10: {  	[tilespmem:s3], [sflag:$0x2] =	stream.linear.gather [hbm4b:s4+s3], $0x40, $0x38;
	[tilespmem:$0xC100] =	vst v63  }
0x11: {  	_ =	swait.ge [sflag:s10], $0x40  }
0x12: {  	[sflag:s10] =	ssyncset.done $0x0  }
0x13: {  	s16 =	simm.s32 $0x80;
	[sflag:s10] =	ssyncadd.s32 $0xFFFFFFC0  }
0x14: {  	[tilespmem:s16], [sflag:$0x2] =	stream.linear.gather [hbm4b:s5+s3], $0x40, $0x38;
	[tilespmem:$0xC100] =	vst v63  }
0x15: {  	_ =	swait.ge [sflag:s10], $0x40  }
0x16: {  	[sflag:s10] =	ssyncset.done $0x0  }
0x17: {  	[sflag:s10] =	ssyncadd.s32 $0xFFFFFFC0  }
0x18: {  	v3 =	vld [tilespmem:$0x0];
	_ =	sdelay $0x4  }
0x19: {  	v4 =	vshrl.u32 v3, $0x3  }
0x1a: {  	v4 =	vmul.u32 $0x30, v4  }
0x1b: {  	v3 =	vand.u32 $0x7, v3  }
0x1c: {  	v3 =	vor.u32 v3, v4  }
0x1d: {  	v4 =	vperm.xlane v3, v0;
	_ =	sdelay $0x1  }
0x1e: {  	v4 =	vadd.s32 v1, v4;
	_ =	sdelay $0x3  }
0x1f: {  	v3 =	vperm.xlane v3, v2  }
0x20: {  	[tilespmem:s11], [sflag:$0x1] =	stream.indirect_vreg.gather [hbm4b:s1+s3], $0x80, v4, vm0, $0xb8;
	[tilespmem:$0xC100] =	vst v63  }
0x21: {  	s17 =	simm.s32 $0x900;
	v3 =	vadd.s32 v1, v3  }
0x22: {  	[tilespmem:s17], [sflag:$0x1] =	stream.indirect_vreg.gather [hbm4b:s6+s3], $0x80, v4, vm0, $0xb8;
	[tilespmem:$0xC100] =	vst v63  }
0x23: {  	s18 =	simm.s32 $0x1100  }
0x24: {  	[tilespmem:s18], [sflag:$0x1] =	stream.indirect_vreg.gather [hbm4b:s7+s3], $0x80, v4, vm0, $0xb8;
	[tilespmem:$0xC100] =	vst v63  }
0x25: {  	s19 =	simm.s32 $0x1900  }
0x26: {  	[tilespmem:s19], [sflag:$0x1] =	stream.indirect_vreg.gather [hbm4b:s1+s3], $0x80, v3, vm0, $0xb8;
	[tilespmem:$0xC100] =	vst v63  }
0x27: {  	s20 =	simm.s32 $0x2100  }
0x28: {  	[tilespmem:s20], [sflag:$0x1] =	stream.indirect_vreg.gather [hbm4b:s6+s3], $0x80, v3, vm0, $0xb8;
	[tilespmem:$0xC100] =	vst v63  }
0x29: {  	s18 =	simm.s32 $0x2900  }
0x2a: {  	[tilespmem:s18], [sflag:$0x1] =	stream.indirect_vreg.gather [hbm4b:s7+s3], $0x80, v3, vm0, $0xb8;
	[tilespmem:$0xC100] =	vst v63  }
0x2b: {  	v3 =	vld [tilespmem:$0x10];
	_ =	sdelay $0x4  }
0x2c: {  	v61 =	vshrl.u32 v3, $0x3  }
0x2d: {  	v4 =	vmul.u32 $0x30, v61  }
0x2e: {  	v3 =	vand.u32 $0x7, v3  }
0x2f: {  	v3 =	vor.u32 v3, v4  }
0x30: {  	v4 =	vperm.xlane v3, v0;
	_ =	sdelay $0x1  }
0x31: {  	v4 =	vadd.s32 v1, v4;
	_ =	sdelay $0x3  }
0x32: {  	s19 =	simm.s32 $0x3100;
	v3 =	vperm.xlane v3, v2  }
0x33: {  	[tilespmem:s19], [sflag:$0x1] =	stream.indirect_vreg.gather [hbm4b:s1+s3], $0x80, v4, vm0, $0xb8;
	[tilespmem:$0xC100] =	vst v63  }
0x34: {  	s20 =	simm.s32 $0x3900;
	v3 =	vadd.s32 v1, v3  }
0x35: {  	[tilespmem:s20], [sflag:$0x1] =	stream.indirect_vreg.gather [hbm4b:s6+s3], $0x80, v4, vm0, $0xb8;
	[tilespmem:$0xC100] =	vst v63  }
0x36: {  	s18 =	simm.s32 $0x4100  }
0x37: {  	[tilespmem:s18], [sflag:$0x1] =	stream.indirect_vreg.gather [hbm4b:s7+s3], $0x80, v4, vm0, $0xb8;
	[tilespmem:$0xC100] =	vst v63  }
0x38: {  	s19 =	simm.s32 $0x4900  }
0x39: {  	[tilespmem:s19], [sflag:$0x1] =	stream.indirect_vreg.gather [hbm4b:s1+s3], $0x80, v3, vm0, $0xb8;
	[tilespmem:$0xC100] =	vst v63  }
0x3a: {  	_ = 	snop  }
0x3b: {  	[tilespmem:s21], [sflag:$0x1] =	stream.indirect_vreg.gather [hbm4b:s6+s3], $0x80, v3, vm0, $0xb8;
	[tilespmem:$0xC100] =	vst v63  }
0x3c: {  	_ = 	snop  }
0x3d: {  	[tilespmem:s22], [sflag:$0x1] =	stream.indirect_vreg.gather [hbm4b:s7+s3], $0x80, v3, vm0, $0xb8;
	[tilespmem:$0xC100] =	vst v63  }
0x3e: {  	v3 =	vld [tilespmem:$0x20];
	_ =	sdelay $0x4  }
0x3f: {  	v62 =	vshrl.u32 v3, $0x3  }
0x40: {  	v4 =	vmul.u32 $0x30, v62  }
0x41: {  	v3 =	vand.u32 $0x7, v3  }
0x42: {  	v3 =	vor.u32 v3, v4  }
0x43: {  	v4 =	vperm.xlane v3, v0;
	_ =	sdelay $0x1  }
0x44: {  	v4 =	vadd.s32 v1, v4;
	_ =	sdelay $0x3  }
0x45: {  	v3 =	vperm.xlane v3, v2  }
0x46: {  	[tilespmem:s23], [sflag:$0x1] =	stream.indirect_vreg.gather [hbm4b:s1+s3], $0x80, v4, vm0, $0xb8;
	[tilespmem:$0xC100] =	vst v63  }
0x47: {  	v3 =	vadd.s32 v1, v3  }
0x48: {  	[tilespmem:s24], [sflag:$0x1] =	stream.indirect_vreg.gather [hbm4b:s6+s3], $0x80, v4, vm0, $0xb8;
	[tilespmem:$0xC100] =	vst v63  }
0x49: {  	_ = 	snop  }
0x4a: {  	[tilespmem:s25], [sflag:$0x1] =	stream.indirect_vreg.gather [hbm4b:s7+s3], $0x80, v4, vm0, $0xb8;
	[tilespmem:$0xC100] =	vst v63  }
0x4b: {  	_ = 	snop  }
0x4c: {  	[tilespmem:s26], [sflag:$0x1] =	stream.indirect_vreg.gather [hbm4b:s1+s3], $0x80, v3, vm0, $0xb8;
	[tilespmem:$0xC100] =	vst v63  }
0x4d: {  	_ = 	snop  }
0x4e: {  	[tilespmem:s28], [sflag:$0x1] =	stream.indirect_vreg.gather [hbm4b:s6+s3], $0x80, v3, vm0, $0xb8;
	[tilespmem:$0xC100] =	vst v63  }
0x4f: {  	_ = 	snop  }
0x50: {  	[tilespmem:s29], [sflag:$0x1] =	stream.indirect_vreg.gather [hbm4b:s7+s3], $0x80, v3, vm0, $0xb8;
	[tilespmem:$0xC100] =	vst v63  }
0x51: {  	v3 =	vld [tilespmem:$0x30];
	_ =	sdelay $0x4  }
0x52: {  	v63 =	vshrl.u32 v3, $0x3  }
0x53: {  	v4 =	vmul.u32 $0x30, v63  }
0x54: {  	v3 =	vand.u32 $0x7, v3  }
0x55: {  	v3 =	vor.u32 v3, v4  }
0x56: {  	v4 =	vperm.xlane v3, v0;
	_ =	sdelay $0x1  }
0x57: {  	v4 =	vadd.s32 v1, v4;
	_ =	sdelay $0x3  }
0x58: {  	v3 =	vperm.xlane v3, v2  }
0x59: {  	[tilespmem:s30], [sflag:$0x1] =	stream.indirect_vreg.gather [hbm4b:s1+s3], $0x80, v4, vm0, $0xb8;
	[tilespmem:$0xC100] =	vst v63  }
0x5a: {  	v3 =	vadd.s32 v1, v3  }
0x5b: {  	[tilespmem:s31], [sflag:$0x1] =	stream.indirect_vreg.gather [hbm4b:s6+s3], $0x80, v4, vm0, $0xb8;
	[tilespmem:$0xC100] =	vst v63  }
0x5c: {  	_ = 	snop  }
0x5d: {  	[tilespmem:s0], [sflag:$0x1] =	stream.indirect_vreg.gather [hbm4b:s7+s3], $0x80, v4, vm0, $0xb8;
	[tilespmem:$0xC100] =	vst v63  }
0x5e: {  	_ = 	snop  }
0x5f: {  	[tilespmem:s2], [sflag:$0x1] =	stream.indirect_vreg.gather [hbm4b:s1+s3], $0x80, v3, vm0, $0xb8;
	[tilespmem:$0xC100] =	vst v63  }
0x60: {  	_ = 	snop  }
0x61: {  	[tilespmem:s12], [sflag:$0x1] =	stream.indirect_vreg.gather [hbm4b:s6+s3], $0x80, v3, vm0, $0xb8;
	[tilespmem:$0xC100] =	vst v63  }
0x62: {  	_ = 	snop  }
0x63: {  	[tilespmem:s13], [sflag:$0x1] =	stream.indirect_vreg.gather [hbm4b:s7+s3], $0x80, v3, vm0, $0xb8;
	[tilespmem:$0xC100] =	vst v63  }
0x64: {  	_ =	swait.ge [sflag:s14], $0xC000  }
0x65: {  	[sflag:s14] =	ssyncset.done $0x0  }
0x66: {  	[sflag:s14] =	ssyncadd.s32 $0xFFFF4000  }
0x67: {  	v3 =	vld [tilespmem:s16+$0x0];
	_ =	sdelay $0x4  }
0x68: {  	(v2sf) =	vpush v3, $0x0;
	_ =	sdelay $0xe  }
0x69: {  	s20 =	spop (v2sf)  }
0x6a: {  	p0 =	sne.s32 s20, $0x0  }
0x6b: {  	s16 =	simm.s32 @!p0 $0x0  }
0x6c: {  	s16 =	smul.u32 @!p0 $0x6000, s16;
	_ =	sdelay $0x1  }
0x6d: {  	s17 =	sand.u32 @!p0 $0x380, s3;
	s16 =	sshra.s32 @!p0 s16, $0x2  }
0x6e: {  	v3 =	vimm.f32 @!p0 $0.0e+00;
	s17 =	sor.u32 @!p0 s17, s16  }
0x6f: {  	[tilespmem:s17+$0x100] =	vst @!p0 v3  }
0x70: {  	[tilespmem:s17+$0x110] =	vst @!p0 v3  }
0x71: {  	[tilespmem:s17+$0x120] =	vst @!p0 v3  }
0x72: {  	[tilespmem:s17+$0x130] =	vst @!p0 v3  }
0x73: {  	[tilespmem:s17+$0x140] =	vst @!p0 v3  }
0x74: {  	[tilespmem:s17+$0x150] =	vst @!p0 v3  }
0x75: {  	[tilespmem:s17+$0x160] =	vst @!p0 v3  }
0x76: {  	[tilespmem:s17+$0x170] =	vst @!p0 v3  }
0x77: {  	[tilespmem:s17+$0x500] =	vst @!p0 v3  }
0x78: {  	[tilespmem:s17+$0x510] =	vst @!p0 v3  }
0x79: {  	[tilespmem:s17+$0x520] =	vst @!p0 v3  }
0x7a: {  	[tilespmem:s17+$0x530] =	vst @!p0 v3  }
0x7b: {  	[tilespmem:s17+$0x540] =	vst @!p0 v3  }
0x7c: {  	[tilespmem:s17+$0x550] =	vst @!p0 v3  }
0x7d: {  	[tilespmem:s17+$0x560] =	vst @!p0 v3  }
0x7e: {  	[tilespmem:s17+$0x570] =	vst @!p0 v3  }
0x7f: {  	[tilespmem:s17+$0x900] =	vst @!p0 v3  }
0x80: {  	[tilespmem:s17+$0x910] =	vst @!p0 v3  }
0x81: {  	[tilespmem:s17+$0x920] =	vst @!p0 v3  }
0x82: {  	[tilespmem:s17+$0x930] =	vst @!p0 v3  }
0x83: {  	[tilespmem:s17+$0x940] =	vst @!p0 v3  }
0x84: {  	[tilespmem:s17+$0x950] =	vst @!p0 v3  }
0x85: {  	[tilespmem:s17+$0x960] =	vst @!p0 v3  }
0x86: {  	[tilespmem:s17+$0x970] =	vst @!p0 v3  }
0x87: {  	[tilespmem:s17+$0xD00] =	vst @!p0 v3  }
0x88: {  	[tilespmem:s17+$0xD10] =	vst @!p0 v3  }
0x89: {  	[tilespmem:s17+$0xD20] =	vst @!p0 v3  }
0x8a: {  	[tilespmem:s17+$0xD30] =	vst @!p0 v3  }
0x8b: {  	[tilespmem:s17+$0xD40] =	vst @!p0 v3  }
0x8c: {  	[tilespmem:s17+$0xD50] =	vst @!p0 v3  }
0x8d: {  	[tilespmem:s17+$0xD60] =	vst @!p0 v3  }
0x8e: {  	[tilespmem:s17+$0xD70] =	vst @!p0 v3  }
0x8f: {  	[tilespmem:s17+$0x1100] =	vst @!p0 v3  }
0x90: {  	[tilespmem:s17+$0x1110] =	vst @!p0 v3  }
0x91: {  	[tilespmem:s17+$0x1120] =	vst @!p0 v3  }
0x92: {  	[tilespmem:s17+$0x1130] =	vst @!p0 v3  }
0x93: {  	[tilespmem:s17+$0x1140] =	vst @!p0 v3  }
0x94: {  	[tilespmem:s17+$0x1150] =	vst @!p0 v3  }
0x95: {  	[tilespmem:s17+$0x1160] =	vst @!p0 v3  }
0x96: {  	[tilespmem:s17+$0x1170] =	vst @!p0 v3  }
0x97: {  	[tilespmem:s17+$0x1500] =	vst @!p0 v3  }
0x98: {  	[tilespmem:s17+$0x1510] =	vst @!p0 v3  }
0x99: {  	[tilespmem:s17+$0x1520] =	vst @!p0 v3  }
0x9a: {  	[tilespmem:s17+$0x1530] =	vst @!p0 v3  }
0x9b: {  	[tilespmem:s17+$0x1540] =	vst @!p0 v3  }
0x9c: {  	[tilespmem:s17+$0x1550] =	vst @!p0 v3  }
0x9d: {  	[tilespmem:s17+$0x1560] =	vst @!p0 v3  }
0x9e: {  	s18 =	simm.s32 $0x0;
	s16 =	simm.s32 $0x1;
	[tilespmem:s17+$0x1570] =	vst @!p0 v3;
	s17 =	simm.s32 $0x81  }
.LBB2_2:
0x9f: {  	v3 =	vld [tilespmem:s17+$0x0];
	s19 =	smov.u32 s16;
	s16 =	sadd.s32 $0x1, s16  }
0xa0: {  	p0 =	sne.s32 s16, $0x40;
	_ =	sdelay $0x3  }
0xa1: {  	(v2sf) =	vpush v3, $0x0;
	_ =	sdelay $0xe  }
0xa2: {  	s20 =	spop (v2sf)  }
0xa3: {  	p1 =	sne.s32 s20, $0x0  }
0xa4: {  	s19 =	sshrl.u32 @!p1 s19, $0x3  }
0xa5: {  	s19 =	smul.u32 @!p1 $0x6000, s19  }
0xa6: {  	s18 =	sadd.s32 $0x80, s18  }
0xa7: {  	s20 =	sand.u32 @!p1 $0x380, s18;
	s19 =	sshra.s32 @!p1 s19, $0x2  }
0xa8: {  	v3 =	vimm.f32 @!p1 $0.0e+00;
	s19 =	sor.u32 @!p1 s20, s19  }
0xa9: {  	[tilespmem:s19+$0x100] =	vst @!p1 v3  }
0xaa: {  	[tilespmem:s19+$0x110] =	vst @!p1 v3  }
0xab: {  	[tilespmem:s19+$0x120] =	vst @!p1 v3  }
0xac: {  	[tilespmem:s19+$0x130] =	vst @!p1 v3  }
0xad: {  	[tilespmem:s19+$0x140] =	vst @!p1 v3  }
0xae: {  	[tilespmem:s19+$0x150] =	vst @!p1 v3  }
0xaf: {  	[tilespmem:s19+$0x160] =	vst @!p1 v3  }
0xb0: {  	[tilespmem:s19+$0x170] =	vst @!p1 v3  }
0xb1: {  	[tilespmem:s19+$0x500] =	vst @!p1 v3  }
0xb2: {  	[tilespmem:s19+$0x510] =	vst @!p1 v3  }
0xb3: {  	[tilespmem:s19+$0x520] =	vst @!p1 v3  }
0xb4: {  	[tilespmem:s19+$0x530] =	vst @!p1 v3  }
0xb5: {  	[tilespmem:s19+$0x540] =	vst @!p1 v3  }
0xb6: {  	[tilespmem:s19+$0x550] =	vst @!p1 v3  }
0xb7: {  	[tilespmem:s19+$0x560] =	vst @!p1 v3  }
0xb8: {  	[tilespmem:s19+$0x570] =	vst @!p1 v3  }
0xb9: {  	[tilespmem:s19+$0x900] =	vst @!p1 v3  }
0xba: {  	[tilespmem:s19+$0x910] =	vst @!p1 v3  }
0xbb: {  	[tilespmem:s19+$0x920] =	vst @!p1 v3  }
0xbc: {  	[tilespmem:s19+$0x930] =	vst @!p1 v3  }
0xbd: {  	[tilespmem:s19+$0x940] =	vst @!p1 v3  }
0xbe: {  	[tilespmem:s19+$0x950] =	vst @!p1 v3  }
0xbf: {  	[tilespmem:s19+$0x960] =	vst @!p1 v3  }
0xc0: {  	[tilespmem:s19+$0x970] =	vst @!p1 v3  }
0xc1: {  	[tilespmem:s19+$0xD00] =	vst @!p1 v3  }
0xc2: {  	[tilespmem:s19+$0xD10] =	vst @!p1 v3  }
0xc3: {  	[tilespmem:s19+$0xD20] =	vst @!p1 v3  }
0xc4: {  	[tilespmem:s19+$0xD30] =	vst @!p1 v3  }
0xc5: {  	[tilespmem:s19+$0xD40] =	vst @!p1 v3  }
0xc6: {  	[tilespmem:s19+$0xD50] =	vst @!p1 v3  }
0xc7: {  	[tilespmem:s19+$0xD60] =	vst @!p1 v3  }
0xc8: {  	[tilespmem:s19+$0xD70] =	vst @!p1 v3  }
0xc9: {  	[tilespmem:s19+$0x1100] =	vst @!p1 v3  }
0xca: {  	[tilespmem:s19+$0x1110] =	vst @!p1 v3  }
0xcb: {  	[tilespmem:s19+$0x1120] =	vst @!p1 v3  }
0xcc: {  	[tilespmem:s19+$0x1130] =	vst @!p1 v3  }
0xcd: {  	[tilespmem:s19+$0x1140] =	vst @!p1 v3  }
0xce: {  	[tilespmem:s19+$0x1150] =	vst @!p1 v3  }
0xcf: {  	[tilespmem:s19+$0x1160] =	vst @!p1 v3  }
0xd0: {  	[tilespmem:s19+$0x1170] =	vst @!p1 v3  }
0xd1: {  	[tilespmem:s19+$0x1500] =	vst @!p1 v3  }
0xd2: {  	[tilespmem:s19+$0x1510] =	vst @!p1 v3  }
0xd3: {  	[tilespmem:s19+$0x1520] =	vst @!p1 v3  }
.Ltmp0:
0xd4: {  	[tilespmem:s19+$0x1530] =	vst @!p1 v3;
	(pc) =	sbr.rel @p0 .LBB2_2-.Ltmp0, $4  }
0xd5: {  	[tilespmem:s19+$0x1540] =	vst @!p1 v3  }
0xd6: {  	[tilespmem:s19+$0x1550] =	vst @!p1 v3  }
0xd7: {  	[tilespmem:s19+$0x1560] =	vst @!p1 v3  }
0xd8: {  	s17 =	sadd.s32 $0x1, s17;
	[tilespmem:s19+$0x1570] =	vst @!p1 v3  }
0xd9: {  	s15 =	sadd.s32 $0x1, s15  }
0xda: {  	p0 =	sne.s32 s15, s9  }
.Ltmp1:
0xdb: {  	_ = 	snop;
	(pc) =	sbr.rel @p0 .LBB2_1-.Ltmp1, $4  }
0xdc: {  	[hbm4b:s8+s3] =	stream.linear.scatter [tilespmem:s11], [sflag:$0x2], $0xC000, $0x38;
	[tilespmem:$0xC100] =	vst v63  }
0xdd: {  	_ =	swait.ge [sflag:s10], $0xC000  }
0xde: {  	[sflag:s10] =	ssyncset.done $0x0  }
0xdf: {  	[sflag:s10] =	ssyncadd.s32 $0xFFFF4000  }
0xe0: {  	_ =	sfence.sel $0x180000  }
0xe1: {  	[bflag:$0x0] =	sbarrier.arrive $0xFFFF  }
0xe2: {  	_ =	strace $0x90000047  }
0xe3: {  	s0 =	stileid.u32;
	[bflag:$0x2] =	sbarrier.arrive $0xFFFF  }
0xe4: {  	p0 =	sne.s32 s0, $0x0;
	s0 =	rddreg [dreg:$0x3]  }
0xe5: {  	s0 =	sadd.s32 @!p0 $0x100000, s0  }
0xe6: {  	[sflag:s0] =	ssyncadd.tile.s32 @!p0 $0x1;
	_ =	shalt  }
.Lfunc_end2:
_tile_overlayer_lowered:
.L_overlay_start_2:
0xe7: {  	(tag) =	ssettag $0x2  }
0xe8: {  	s0 =	rddreg [dreg:$0x0];
	s2 =	stileid.u32  }
0xe9: {  	s1 =	rddreg [dreg:$0x1];
	p0 =	sne.s32 s2, $0x0  }
0xea: {  	s3 =	rddreg [dreg:$0x2];
	[bflag:$0x3] =	sbarrier.arrive $0xFFFF;
	s2 =	simm.s32 @!p0 $0x1C02  }
0xeb: {  	[timem:s3], [sflag:s2] =	dma.local @!p0 [hbm:s0], s1  }
0xec: {  	s0 =	simm.s32 @!p0 $0x2  }
0xed: {  	_ =	swait.ge @!p0 [sflag:s0], s1  }
0xee: {  	s1 =	ssub.s32 @!p0 $0x0, s1;
	[sflag:s0] =	ssyncset.done @!p0 $0x0  }
0xef: {  	[sflag:s0] =	ssyncadd.s32 @!p0 s1  }
0xf0: {  	[bflag:$0x3] =	sbarrier.arrive $0xFFFF  }
0xf1: {  	_ =	shalt  }

</sc_bundles>
